<compile_context>
chip_gen: v7x
topology: tpu7x:2x2x1
jax: 0.10.2.dev20260603
libtpu: 0.0.44.dev20260713+nightly
codegen_flags: <defaults>
</compile_context>

<pallas_src>
import functools

import jax
import jax.numpy as jnp
from jax import lax
from jax.experimental import pallas as pl
from jax.experimental.pallas import tpu as pltpu
from jax.experimental.pallas import tpu_sc as plsc

N = 10000
E = 160000
D = 256
H = 256

NC = 2
NS = 16
NW = NC * NS
N_PAD = 10240
ROWS_W = N_PAD // NW
IDXW = 80


BN = 1024


def _gather_x_body(feat_hbm, emb_hbm, x_hbm, idx_v, rows_v, sem):
    wid = lax.axis_index("s") * NC + lax.axis_index("c")
    base = wid * ROWS_W
    pltpu.sync_copy(feat_hbm.at[pl.ds(base, ROWS_W)], idx_v)
    cps = []
    for j in range(ROWS_W // IDXW):
        cps.append(pltpu.async_copy(
            emb_hbm.at[idx_v.at[pl.ds(j * IDXW, IDXW)]],
            rows_v.at[pl.ds(j * IDXW, IDXW)], sem))
    for cp in cps:
        cp.wait()
    pltpu.sync_copy(rows_v, x_hbm.at[pl.ds(base, ROWS_W)])


@functools.cache
def _gather_x_kernel():
    return pl.kernel(
        _gather_x_body,
        out_type=jax.ShapeDtypeStruct((N_PAD, D), jnp.float32),
        mesh=plsc.VectorSubcoreMesh(core_axis_name="c", subcore_axis_name="s"),
        scratch_types=[
            pltpu.VMEM((ROWS_W,), jnp.int32),
            pltpu.VMEM((ROWS_W, D), jnp.float32),
            pltpu.SemaphoreType.DMA,
        ],
    )


def _dense_body(x_ref, ms0_ref, ms1_ref, dg_ref,
                ws_ref, wn_ref, b_ref,
                we1_ref, be1_ref, we2_ref, be2_ref,
                wmu_ref, bmu_ref, wstd_ref, bstd_ref,
                we3_ref, be3_ref, we4_ref, be4_ref,
                wp_ref, bp_ref, noise_ref,
                y_ref, z_ref, mean_ref, ls_ref,
                acc_ref):
    i = pl.program_id(0)
    xb = x_ref[...]
    d = dg_ref[:, 0:1]
    inv = 1.0 / jnp.maximum(d, 1.0)
    nb = jnp.concatenate([ms0_ref[...], ms1_ref[...]], axis=1) * inv
    h = (jnp.dot(xb, ws_ref[...], preferred_element_type=jnp.float32)
         + jnp.dot(nb, wn_ref[...], preferred_element_type=jnp.float32)
         + b_ref[...])
    h = jnp.maximum(h, 0.0)
    rows = jax.lax.broadcasted_iota(jnp.int32, (BN, 1), 0) + i * BN
    h = jnp.where(rows < N, h, 0.0)
    part = jnp.sum(h, axis=0, keepdims=True)

    @pl.when(i == 0)
    def _():
        acc_ref[...] = part

    @pl.when(i > 0)
    def _():
        acc_ref[...] = acc_ref[...] + part

    @pl.when(i == pl.num_programs(0) - 1)
    def _():
        mm = lambda a, w: jnp.dot(a, w, preferred_element_type=jnp.float32)
        hg = acc_ref[...] * (1.0 / N)
        hidden = jnp.maximum(mm(hg, we1_ref[...]) + be1_ref[...], 0.0)
        h2 = jnp.maximum(mm(hidden, we2_ref[...]) + be2_ref[...], 0.0)
        mean = jnp.maximum(mm(h2, wmu_ref[...]) + bmu_ref[...], 0.0)
        log_std = jnp.maximum(mm(h2, wstd_ref[...]) + bstd_ref[...], 0.0)
        z = mean + noise_ref[...] * jnp.exp(0.5 * log_std)
        h3 = jnp.maximum(mm(z, we3_ref[...]) + be3_ref[...], 0.0)
        h4 = jnp.maximum(mm(h3, we4_ref[...]) + be4_ref[...], 0.0)
        y = mm(h4, wp_ref[...]) + bp_ref[...]
        y_ref[...] = y
        z_ref[...] = z
        mean_ref[...] = mean
        ls_ref[...] = log_std


def _dense(x, msum2, deg2, Ws, Wn, b, We1, be1, We2, be2, Wmu, bmu,
           Wstd, bstd, We3, be3, We4, be4, Wp, bp, noise, interpret=False):
    nblk = N_PAD // BN
    full = lambda shape: pl.BlockSpec(shape, lambda i: (0, 0))
    return pl.pallas_call(
        _dense_body,
        grid=(nblk,),
        in_specs=[
            pl.BlockSpec((BN, D), lambda i: (i, 0)),
            pl.BlockSpec((BN, D // 2), lambda i: (i, 0)),
            pl.BlockSpec((BN, D // 2), lambda i: (i + N_PAD // BN, 0)),
            pl.BlockSpec((BN, 16), lambda i: (i, 0)),
            full((D, D)), full((D, D)), full((1, D)),
            full((D, D)), full((1, D)), full((D, D)), full((1, D)),
            full((D, H)), full((1, H)), full((D, H)), full((1, H)),
            full((H, H)), full((1, H)), full((H, H)), full((1, H)),
            full((H, 1)), full((1, 1)), full((1, H)),
        ],
        out_specs=[
            full((1, 1)), full((1, H)), full((1, H)), full((1, H)),
        ],
        out_shape=[
            jax.ShapeDtypeStruct((1, 1), jnp.float32),
            jax.ShapeDtypeStruct((1, H), jnp.float32),
            jax.ShapeDtypeStruct((1, H), jnp.float32),
            jax.ShapeDtypeStruct((1, H), jnp.float32),
        ],
        scratch_shapes=[pltpu.VMEM((1, D), jnp.float32)],
        interpret=interpret,
    )(x, msum2, msum2, deg2, Ws, Wn, b, We1, be1, We2, be2, Wmu, bmu,
      Wstd, bstd, We3, be3, We4, be4, Wp, bp, noise)


def kernel(feat, edge_index, emb, Wself0, Wneigh0, b0, Wself1, Wneigh1, b1,
           We1, be1, We2, be2, Wmu, bmu, Wstd, bstd, We3, be3, We4, be4,
           Wp, bp, noise):
    feat_p = jnp.concatenate([feat, jnp.zeros((N_PAD - N,), jnp.int32)])
    src = edge_index[0]
    dst = edge_index[1]

    x = _gather_x_kernel()(feat_p, emb)
    msum = jax.ops.segment_sum(jnp.take(x, src, axis=0), dst,
                               num_segments=N_PAD)
    msum2 = jnp.concatenate([msum[:, :D // 2], msum[:, D // 2:]], axis=0)
    deg = jax.ops.segment_sum(jnp.ones((E,), jnp.float32), dst,
                              num_segments=N_PAD)
    deg2 = jnp.concatenate(
        [jnp.broadcast_to(deg[:, None], (N_PAD, 16))] * 2, axis=0)

    r = lambda v: v.reshape(1, -1)
    y, z, mean, log_std = _dense(
        x, msum2, deg2, Wself1, Wneigh1, r(b1),
        We1, r(be1), We2, r(be2), Wmu, r(bmu), Wstd, r(bstd),
        We3, r(be3), We4, r(be4), Wp, r(bp), noise)
    return (y, z, mean, log_std)

# --- scband reference (transcript-rebuilt; emitter-appended) ---
"""Pipeline reference for scband-vgaemodel-89824946028717 (READ-ONLY COPY).

The authoritative reference and input builder live on the scoring server;
editing this copy changes nothing except your own understanding.
"""

import jax, jax.numpy as jnp
import numpy as np

N = 10000
E = 160000
V = 10000
D = 256
H = 256
OUT = 1

def _glorot(k, shape):
    lim = float(np.sqrt(6.0 / (shape[0] + shape[1])))
    return jax.random.uniform(k, shape, minval=-lim, maxval=lim, dtype=jnp.float32)

def setup_inputs(seed: int = 0):
    key = jax.random.key(seed)
    ks = jax.random.split(key, 32)
    inp = {}
    inp["feat"] = jax.random.randint(ks[0], (N,), 0, V, dtype=jnp.int32)
    inp["edge_index"] = jax.random.randint(ks[1], (2, E), 0, N, dtype=jnp.int32)
    inp["emb"] = jax.random.normal(ks[2], (V, D), dtype=jnp.float32)
    inp["Wself0"] = _glorot(ks[3], (D, D)); inp["Wneigh0"] = _glorot(ks[4], (D, D)); inp["b0"] = jnp.zeros((D,), jnp.float32)
    inp["Wself1"] = _glorot(ks[5], (D, D)); inp["Wneigh1"] = _glorot(ks[6], (D, D)); inp["b1"] = jnp.zeros((D,), jnp.float32)
    inp["We1"] = _glorot(ks[7], (D, D)); inp["be1"] = jnp.zeros((D,), jnp.float32)
    inp["We2"] = _glorot(ks[8], (D, D)); inp["be2"] = jnp.zeros((D,), jnp.float32)
    inp["Wmu"] = _glorot(ks[9], (D, H)); inp["bmu"] = jnp.zeros((H,), jnp.float32)
    inp["Wstd"] = _glorot(ks[10], (D, H)); inp["bstd"] = jnp.zeros((H,), jnp.float32)
    inp["We3"] = _glorot(ks[11], (H, H)); inp["be3"] = jnp.zeros((H,), jnp.float32)
    inp["We4"] = _glorot(ks[12], (H, H)); inp["be4"] = jnp.zeros((H,), jnp.float32)
    inp["Wp"] = _glorot(ks[13], (H, OUT)); inp["bp"] = jnp.zeros((OUT,), jnp.float32)
    inp["noise"] = jax.random.normal(ks[14], (1, H), dtype=jnp.float32)
    return inp

def reference(feat, edge_index, emb, Wself0, Wneigh0, b0, Wself1, Wneigh1, b1, We1, be1, We2, be2, Wmu, bmu, Wstd, bstd, We3, be3, We4, be4, Wp, bp, noise):
    src = edge_index[0]
    dst = edge_index[1]
    x = jnp.take(emb, feat, axis=0)
    deg = jax.ops.segment_sum(jnp.ones((E,), jnp.float32), dst, num_segments=N)
    inv_deg = 1.0 / jnp.maximum(deg, 1.0)
    def sage(h, Ws, Wn, b):
        msum = jax.ops.segment_sum(jnp.take(h, src, axis=0), dst, num_segments=N)
        neigh = msum * inv_deg[:, None]
        return h @ Ws + neigh @ Wn + b
    # NOTE: faithful to the original buggy loop -- every conv layer consumes the
    # original embedded features, so h is the relu of the LAST layer applied to x.
    h = x
    for (Ws, Wn, b) in ((Wself0, Wneigh0, b0), (Wself1, Wneigh1, b1)):
        h = jax.nn.relu(sage(x, Ws, Wn, b))
    hg = jnp.mean(h, axis=0, keepdims=True)  # dgl.mean_nodes over a single graph -> [1, D]
    hidden = jax.nn.relu(hg @ We1 + be1)
    h2 = jax.nn.relu(hidden @ We2 + be2)
    mean = jax.nn.relu(h2 @ Wmu + bmu)
    log_std = jax.nn.relu(h2 @ Wstd + bstd)
    z = mean + noise * jnp.exp(0.5 * log_std)
    h3 = jax.nn.relu(z @ We3 + be3)
    h4 = jax.nn.relu(h3 @ We4 + be4)
    y = h4 @ Wp + bp  # Regression head
    return (y, z, mean, log_std)

if __name__ == "__main__":
    import jax
    _d = setup_inputs()
    print(jax.jit(kernel)(*tuple(_d.values())))

</pallas_src>

<mosaic_0001>
#map = affine_map<(d0, d1) -> (0)>
#map1 = affine_map<(d0, d1) -> (0, 0)>
module attributes {stable_mosaic.version = 14 : i64} {
  func.func @_gather_x_body(%arg0: i32, %arg1: i32, %arg2: memref<10240xi32, #tpu.memory_space<hbm>>, %arg3: memref<10000x256xf32, #tpu.memory_space<hbm>>, %arg4: memref<10240x256xf32, #tpu.memory_space<hbm>>, %arg5: memref<320xi32, #tpu.memory_space<vmem>>, %arg6: memref<320x256xf32, #tpu.memory_space<vmem>>, %arg7: memref<!tpu.dma_semaphore, #tpu.memory_space<semaphore_mem>>) attributes {dimension_semantics = [#tpu.dimension_semantics<core_parallel>, #tpu.dimension_semantics<subcore_parallel>], iteration_bounds = array<i64: 2, 16>, scalar_prefetch = 0 : i64, scratch_operands = 3 : i64, tpu.core_type = #tpu.core_type<sc_vector_subcore>, window_params = [{transform_indices = #map}, {transform_indices = #map1}, {transform_indices = #map1}]} {
    %mul3A = arith.constant 2 : i32
    %mul3A_0 = arith.muli %arg1, %mul3A : i32
    %add3A = arith.addi %mul3A_0, %arg0 : i32
    %mul3A_1 = arith.constant 320 : i32
    %mul3A_2 = arith.muli %add3A, %mul3A_1 : i32
    "tpu.region"() ({
      %run_scoped3A = tpu.sem_alloc : memref<!tpu.dma_semaphore, #tpu.memory_space<semaphore_mem>>
      %dma_start3A_65 = tpu.memref_slice %arg2[%mul3A_2] : memref<10240xi32, #tpu.memory_space<hbm>> -> memref<320xi32, #tpu.memory_space<hbm>>
      %dma_start3A_66 = tpu.memref_slice %arg2[%mul3A_2] : memref<10240xi32, #tpu.memory_space<hbm>> -> memref<320xi32, #tpu.memory_space<hbm>>
      tpu.enqueue_dma source(%dma_start3A_66 : memref<320xi32, #tpu.memory_space<hbm>>) target(%arg5 : memref<320xi32, #tpu.memory_space<vmem>>) target_semaphore(%run_scoped3A : memref<!tpu.dma_semaphore, #tpu.memory_space<semaphore_mem>>)
      %dma_wait3A_67 = tpu.memref_slice %arg2[%mul3A_2] : memref<10240xi32, #tpu.memory_space<hbm>> -> memref<320xi32, #tpu.memory_space<hbm>>
      %dma_wait3A_68 = tpu.memref_slice %arg2[%mul3A_2] : memref<10240xi32, #tpu.memory_space<hbm>> -> memref<320xi32, #tpu.memory_space<hbm>>
      tpu.wait_dma2 semaphore(%run_scoped3A : memref<!tpu.dma_semaphore, #tpu.memory_space<semaphore_mem>>) src(%dma_wait3A_68 : memref<320xi32, #tpu.memory_space<hbm>>) dst(%arg5 : memref<320xi32, #tpu.memory_space<vmem>>)
      tpu.yield
    }) : () -> ()
    %dma_start3A = arith.constant 0 : i32
    %dma_start3A_3 = arith.constant 0 : i32
    %dma_start3A_4 = tpu.memref_slice %arg6[%dma_start3A, %dma_start3A_3] : memref<320x256xf32, #tpu.memory_space<vmem>> -> memref<80x256xf32, #tpu.memory_space<vmem>>
    %dma_start3A_5 = arith.constant 0 : i32
    %dma_start3A_6 = tpu.memref_slice %arg5[%dma_start3A_5] : memref<320xi32, #tpu.memory_space<vmem>> -> memref<80xi32, #tpu.memory_space<vmem>>
    %dma_start3A_7 = arith.constant 0 : i32
    %dma_start3A_8 = arith.constant 0 : i32
    %dma_start3A_9 = tpu.memref_slice %arg3[%dma_start3A_7, %dma_start3A_8] : memref<10000x256xf32, #tpu.memory_space<hbm>> -> memref<10000x256xf32, #tpu.memory_space<hbm>>
    tpu.enqueue_indirect_dma source(%dma_start3A_9 : memref<10000x256xf32, #tpu.memory_space<hbm>>) target(%dma_start3A_4 : memref<80x256xf32, #tpu.memory_space<vmem>>) offsets(%dma_start3A_6 : memref<80xi32, #tpu.memory_space<vmem>>) semaphore(%arg7 : memref<!tpu.dma_semaphore, #tpu.memory_space<semaphore_mem>>)
    %dma_start3A_10 = arith.constant 80 : i32
    %dma_start3A_11 = arith.constant 0 : i32
    %dma_start3A_12 = tpu.memref_slice %arg6[%dma_start3A_10, %dma_start3A_11] : memref<320x256xf32, #tpu.memory_space<vmem>> -> memref<80x256xf32, #tpu.memory_space<vmem>>
    %dma_start3A_13 = arith.constant 80 : i32
    %dma_start3A_14 = tpu.memref_slice %arg5[%dma_start3A_13] : memref<320xi32, #tpu.memory_space<vmem>> -> memref<80xi32, #tpu.memory_space<vmem>>
    %dma_start3A_15 = arith.constant 0 : i32
    %dma_start3A_16 = arith.constant 0 : i32
    %dma_start3A_17 = tpu.memref_slice %arg3[%dma_start3A_15, %dma_start3A_16] : memref<10000x256xf32, #tpu.memory_space<hbm>> -> memref<10000x256xf32, #tpu.memory_space<hbm>>
    tpu.enqueue_indirect_dma source(%dma_start3A_17 : memref<10000x256xf32, #tpu.memory_space<hbm>>) target(%dma_start3A_12 : memref<80x256xf32, #tpu.memory_space<vmem>>) offsets(%dma_start3A_14 : memref<80xi32, #tpu.memory_space<vmem>>) semaphore(%arg7 : memref<!tpu.dma_semaphore, #tpu.memory_space<semaphore_mem>>)
    %dma_start3A_18 = arith.constant 160 : i32
    %dma_start3A_19 = arith.constant 0 : i32
    %dma_start3A_20 = tpu.memref_slice %arg6[%dma_start3A_18, %dma_start3A_19] : memref<320x256xf32, #tpu.memory_space<vmem>> -> memref<80x256xf32, #tpu.memory_space<vmem>>
    %dma_start3A_21 = arith.constant 160 : i32
    %dma_start3A_22 = tpu.memref_slice %arg5[%dma_start3A_21] : memref<320xi32, #tpu.memory_space<vmem>> -> memref<80xi32, #tpu.memory_space<vmem>>
    %dma_start3A_23 = arith.constant 0 : i32
    %dma_start3A_24 = arith.constant 0 : i32
    %dma_start3A_25 = tpu.memref_slice %arg3[%dma_start3A_23, %dma_start3A_24] : memref<10000x256xf32, #tpu.memory_space<hbm>> -> memref<10000x256xf32, #tpu.memory_space<hbm>>
    tpu.enqueue_indirect_dma source(%dma_start3A_25 : memref<10000x256xf32, #tpu.memory_space<hbm>>) target(%dma_start3A_20 : memref<80x256xf32, #tpu.memory_space<vmem>>) offsets(%dma_start3A_22 : memref<80xi32, #tpu.memory_space<vmem>>) semaphore(%arg7 : memref<!tpu.dma_semaphore, #tpu.memory_space<semaphore_mem>>)
    %dma_start3A_26 = arith.constant 240 : i32
    %dma_start3A_27 = arith.constant 0 : i32
    %dma_start3A_28 = tpu.memref_slice %arg6[%dma_start3A_26, %dma_start3A_27] : memref<320x256xf32, #tpu.memory_space<vmem>> -> memref<80x256xf32, #tpu.memory_space<vmem>>
    %dma_start3A_29 = arith.constant 240 : i32
    %dma_start3A_30 = tpu.memref_slice %arg5[%dma_start3A_29] : memref<320xi32, #tpu.memory_space<vmem>> -> memref<80xi32, #tpu.memory_space<vmem>>
    %dma_start3A_31 = arith.constant 0 : i32
    %dma_start3A_32 = arith.constant 0 : i32
    %dma_start3A_33 = tpu.memref_slice %arg3[%dma_start3A_31, %dma_start3A_32] : memref<10000x256xf32, #tpu.memory_space<hbm>> -> memref<10000x256xf32, #tpu.memory_space<hbm>>
    tpu.enqueue_indirect_dma source(%dma_start3A_33 : memref<10000x256xf32, #tpu.memory_space<hbm>>) target(%dma_start3A_28 : memref<80x256xf32, #tpu.memory_space<vmem>>) offsets(%dma_start3A_30 : memref<80xi32, #tpu.memory_space<vmem>>) semaphore(%arg7 : memref<!tpu.dma_semaphore, #tpu.memory_space<semaphore_mem>>)
    %dma_wait3A = arith.constant 0 : i32
    %dma_wait3A_34 = arith.constant 0 : i32
    %dma_wait3A_35 = tpu.memref_slice %arg6[%dma_wait3A, %dma_wait3A_34] : memref<320x256xf32, #tpu.memory_space<vmem>> -> memref<80x256xf32, #tpu.memory_space<vmem>>
    %dma_wait3A_36 = arith.constant 0 : i32
    %dma_wait3A_37 = tpu.memref_slice %arg5[%dma_wait3A_36] : memref<320xi32, #tpu.memory_space<vmem>> -> memref<80xi32, #tpu.memory_space<vmem>>
    %dma_wait3A_38 = arith.constant 0 : i32
    %dma_wait3A_39 = arith.constant 0 : i32
    %dma_wait3A_40 = tpu.memref_slice %arg3[%dma_wait3A_38, %dma_wait3A_39] : memref<10000x256xf32, #tpu.memory_space<hbm>> -> memref<10000x256xf32, #tpu.memory_space<hbm>>
    tpu.wait_indirect_dma semaphore(%arg7 : memref<!tpu.dma_semaphore, #tpu.memory_space<semaphore_mem>>) src(%dma_wait3A_40 : memref<10000x256xf32, #tpu.memory_space<hbm>>) dst(%dma_wait3A_35 : memref<80x256xf32, #tpu.memory_space<vmem>>)
    %dma_wait3A_41 = arith.constant 80 : i32
    %dma_wait3A_42 = arith.constant 0 : i32
    %dma_wait3A_43 = tpu.memref_slice %arg6[%dma_wait3A_41, %dma_wait3A_42] : memref<320x256xf32, #tpu.memory_space<vmem>> -> memref<80x256xf32, #tpu.memory_space<vmem>>
    %dma_wait3A_44 = arith.constant 80 : i32
    %dma_wait3A_45 = tpu.memref_slice %arg5[%dma_wait3A_44] : memref<320xi32, #tpu.memory_space<vmem>> -> memref<80xi32, #tpu.memory_space<vmem>>
    %dma_wait3A_46 = arith.constant 0 : i32
    %dma_wait3A_47 = arith.constant 0 : i32
    %dma_wait3A_48 = tpu.memref_slice %arg3[%dma_wait3A_46, %dma_wait3A_47] : memref<10000x256xf32, #tpu.memory_space<hbm>> -> memref<10000x256xf32, #tpu.memory_space<hbm>>
    tpu.wait_indirect_dma semaphore(%arg7 : memref<!tpu.dma_semaphore, #tpu.memory_space<semaphore_mem>>) src(%dma_wait3A_48 : memref<10000x256xf32, #tpu.memory_space<hbm>>) dst(%dma_wait3A_43 : memref<80x256xf32, #tpu.memory_space<vmem>>)
    %dma_wait3A_49 = arith.constant 160 : i32
    %dma_wait3A_50 = arith.constant 0 : i32
    %dma_wait3A_51 = tpu.memref_slice %arg6[%dma_wait3A_49, %dma_wait3A_50] : memref<320x256xf32, #tpu.memory_space<vmem>> -> memref<80x256xf32, #tpu.memory_space<vmem>>
    %dma_wait3A_52 = arith.constant 160 : i32
    %dma_wait3A_53 = tpu.memref_slice %arg5[%dma_wait3A_52] : memref<320xi32, #tpu.memory_space<vmem>> -> memref<80xi32, #tpu.memory_space<vmem>>
    %dma_wait3A_54 = arith.constant 0 : i32
    %dma_wait3A_55 = arith.constant 0 : i32
    %dma_wait3A_56 = tpu.memref_slice %arg3[%dma_wait3A_54, %dma_wait3A_55] : memref<10000x256xf32, #tpu.memory_space<hbm>> -> memref<10000x256xf32, #tpu.memory_space<hbm>>
    tpu.wait_indirect_dma semaphore(%arg7 : memref<!tpu.dma_semaphore, #tpu.memory_space<semaphore_mem>>) src(%dma_wait3A_56 : memref<10000x256xf32, #tpu.memory_space<hbm>>) dst(%dma_wait3A_51 : memref<80x256xf32, #tpu.memory_space<vmem>>)
    %dma_wait3A_57 = arith.constant 240 : i32
    %dma_wait3A_58 = arith.constant 0 : i32
    %dma_wait3A_59 = tpu.memref_slice %arg6[%dma_wait3A_57, %dma_wait3A_58] : memref<320x256xf32, #tpu.memory_space<vmem>> -> memref<80x256xf32, #tpu.memory_space<vmem>>
    %dma_wait3A_60 = arith.constant 240 : i32
    %dma_wait3A_61 = tpu.memref_slice %arg5[%dma_wait3A_60] : memref<320xi32, #tpu.memory_space<vmem>> -> memref<80xi32, #tpu.memory_space<vmem>>
    %dma_wait3A_62 = arith.constant 0 : i32
    %dma_wait3A_63 = arith.constant 0 : i32
    %dma_wait3A_64 = tpu.memref_slice %arg3[%dma_wait3A_62, %dma_wait3A_63] : memref<10000x256xf32, #tpu.memory_space<hbm>> -> memref<10000x256xf32, #tpu.memory_space<hbm>>
    tpu.wait_indirect_dma semaphore(%arg7 : memref<!tpu.dma_semaphore, #tpu.memory_space<semaphore_mem>>) src(%dma_wait3A_64 : memref<10000x256xf32, #tpu.memory_space<hbm>>) dst(%dma_wait3A_59 : memref<80x256xf32, #tpu.memory_space<vmem>>)
    "tpu.region"() ({
      %run_scoped3A = tpu.sem_alloc : memref<!tpu.dma_semaphore, #tpu.memory_space<semaphore_mem>>
      %dma_start3A_65 = arith.constant 0 : i32
      %dma_start3A_66 = tpu.memref_slice %arg4[%mul3A_2, %dma_start3A_65] : memref<10240x256xf32, #tpu.memory_space<hbm>> -> memref<320x256xf32, #tpu.memory_space<hbm>>
      %dma_start3A_67 = arith.constant 0 : i32
      %dma_start3A_68 = tpu.memref_slice %arg4[%mul3A_2, %dma_start3A_67] : memref<10240x256xf32, #tpu.memory_space<hbm>> -> memref<320x256xf32, #tpu.memory_space<hbm>>
      tpu.enqueue_dma source(%arg6 : memref<320x256xf32, #tpu.memory_space<vmem>>) target(%dma_start3A_68 : memref<320x256xf32, #tpu.memory_space<hbm>>) target_semaphore(%run_scoped3A : memref<!tpu.dma_semaphore, #tpu.memory_space<semaphore_mem>>)
      %dma_wait3A_69 = arith.constant 0 : i32
      %dma_wait3A_70 = tpu.memref_slice %arg4[%mul3A_2, %dma_wait3A_69] : memref<10240x256xf32, #tpu.memory_space<hbm>> -> memref<320x256xf32, #tpu.memory_space<hbm>>
      %dma_wait3A_71 = arith.constant 0 : i32
      %dma_wait3A_72 = tpu.memref_slice %arg4[%mul3A_2, %dma_wait3A_71] : memref<10240x256xf32, #tpu.memory_space<hbm>> -> memref<320x256xf32, #tpu.memory_space<hbm>>
      tpu.wait_dma2 semaphore(%run_scoped3A : memref<!tpu.dma_semaphore, #tpu.memory_space<semaphore_mem>>) src(%arg6 : memref<320x256xf32, #tpu.memory_space<vmem>>) dst(%dma_wait3A_72 : memref<320x256xf32, #tpu.memory_space<hbm>>)
      tpu.yield
    }) : () -> ()
    return
  }
}

module attributes {stable_mosaic.version = 14 : i64} {
  func.func @_dense_body(%arg0: i32, %arg1: memref<1024x256xf32, #tpu.memory_space<vmem>>, %arg2: memref<1024x128xf32, #tpu.memory_space<vmem>>, %arg3: memref<1024x128xf32, #tpu.memory_space<vmem>>, %arg4: memref<1024x16xf32, #tpu.memory_space<vmem>>, %arg5: memref<256x256xf32, #tpu.memory_space<vmem>>, %arg6: memref<256x256xf32, #tpu.memory_space<vmem>>, %arg7: memref<1x256xf32, #tpu.memory_space<vmem>>, %arg8: memref<256x256xf32, #tpu.memory_space<vmem>>, %arg9: memref<1x256xf32, #tpu.memory_space<vmem>>, %arg10: memref<256x256xf32, #tpu.memory_space<vmem>>, %arg11: memref<1x256xf32, #tpu.memory_space<vmem>>, %arg12: memref<256x256xf32, #tpu.memory_space<vmem>>, %arg13: memref<1x256xf32, #tpu.memory_space<vmem>>, %arg14: memref<256x256xf32, #tpu.memory_space<vmem>>, %arg15: memref<1x256xf32, #tpu.memory_space<vmem>>, %arg16: memref<256x256xf32, #tpu.memory_space<vmem>>, %arg17: memref<1x256xf32, #tpu.memory_space<vmem>>, %arg18: memref<256x256xf32, #tpu.memory_space<vmem>>, %arg19: memref<1x256xf32, #tpu.memory_space<vmem>>, %arg20: memref<256x1xf32, #tpu.memory_space<vmem>>, %arg21: memref<1x1xf32, #tpu.memory_space<vmem>>, %arg22: memref<1x256xf32, #tpu.memory_space<vmem>>, %arg23: memref<1x1xf32, #tpu.memory_space<vmem>>, %arg24: memref<1x256xf32, #tpu.memory_space<vmem>>, %arg25: memref<1x256xf32, #tpu.memory_space<vmem>>, %arg26: memref<1x256xf32, #tpu.memory_space<vmem>>, %arg27: memref<1x256xf32, #tpu.memory_space<vmem>>) attributes {dimension_semantics = [#tpu.dimension_semantics<arbitrary>], iteration_bounds = array<i64: 10>, scalar_prefetch = 0 : i64, scratch_operands = 1 : i64, tpu.core_type = #tpu.core_type<tc>, window_params = [{transform_indices = @transform_0, window_bounds = array<i64: 1024, 256>}, {transform_indices = @transform_1, window_bounds = array<i64: 1024, 128>}, {transform_indices = @transform_2, window_bounds = array<i64: 1024, 128>}, {transform_indices = @transform_3, window_bounds = array<i64: 1024, 16>}, {pipeline_mode = #tpu.pipeline_mode<synchronous>, transform_indices = @transform_4, window_bounds = array<i64: 256, 256>}, {pipeline_mode = #tpu.pipeline_mode<synchronous>, transform_indices = @transform_5, window_bounds = array<i64: 256, 256>}, {pipeline_mode = #tpu.pipeline_mode<synchronous>, transform_indices = @transform_6, window_bounds = array<i64: 1, 256>}, {pipeline_mode = #tpu.pipeline_mode<synchronous>, transform_indices = @transform_7, window_bounds = array<i64: 256, 256>}, {pipeline_mode = #tpu.pipeline_mode<synchronous>, transform_indices = @transform_8, window_bounds = array<i64: 1, 256>}, {pipeline_mode = #tpu.pipeline_mode<synchronous>, transform_indices = @transform_9, window_bounds = array<i64: 256, 256>}, {pipeline_mode = #tpu.pipeline_mode<synchronous>, transform_indices = @transform_10, window_bounds = array<i64: 1, 256>}, {pipeline_mode = #tpu.pipeline_mode<synchronous>, transform_indices = @transform_11, window_bounds = array<i64: 256, 256>}, {pipeline_mode = #tpu.pipeline_mode<synchronous>, transform_indices = @transform_12, window_bounds = array<i64: 1, 256>}, {pipeline_mode = #tpu.pipeline_mode<synchronous>, transform_indices = @transform_13, window_bounds = array<i64: 256, 256>}, {pipeline_mode = #tpu.pipeline_mode<synchronous>, transform_indices = @transform_14, window_bounds = array<i64: 1, 256>}, {pipeline_mode = #tpu.pipeline_mode<synchronous>, transform_indices = @transform_15, window_bounds = array<i64: 256, 256>}, {pipeline_mode = #tpu.pipeline_mode<synchronous>, transform_indices = @transform_16, window_bounds = array<i64: 1, 256>}, {pipeline_mode = #tpu.pipeline_mode<synchronous>, transform_indices = @transform_17, window_bounds = array<i64: 256, 256>}, {pipeline_mode = #tpu.pipeline_mode<synchronous>, transform_indices = @transform_18, window_bounds = array<i64: 1, 256>}, {pipeline_mode = #tpu.pipeline_mode<synchronous>, transform_indices = @transform_19, window_bounds = array<i64: 256, 1>}, {pipeline_mode = #tpu.pipeline_mode<synchronous>, transform_indices = @transform_20, window_bounds = array<i64: 1, 1>}, {pipeline_mode = #tpu.pipeline_mode<synchronous>, transform_indices = @transform_21, window_bounds = array<i64: 1, 256>}, {pipeline_mode = #tpu.pipeline_mode<synchronous>, transform_indices = @transform_22, window_bounds = array<i64: 1, 1>}, {pipeline_mode = #tpu.pipeline_mode<synchronous>, transform_indices = @transform_23, window_bounds = array<i64: 1, 256>}, {pipeline_mode = #tpu.pipeline_mode<synchronous>, transform_indices = @transform_24, window_bounds = array<i64: 1, 256>}, {pipeline_mode = #tpu.pipeline_mode<synchronous>, transform_indices = @transform_25, window_bounds = array<i64: 1, 256>}]} {
    %get3A = arith.constant 0 : index
    %get3A_0 = arith.constant 0 : index
    %get3A_1 = vector.load %arg1[%get3A, %get3A_0] : memref<1024x256xf32, #tpu.memory_space<vmem>>, vector<1024x256xf32>
    %get3A_2 = arith.constant 0 : index
    %get3A_3 = arith.constant 0 : index
    %get3A_4 = vector.load %arg4[%get3A_2, %get3A_3] : memref<1024x16xf32, #tpu.memory_space<vmem>>, vector<1024x1xf32>
    %max3A = arith.constant 1.000000e+00 : f32
    %max3A_5 = vector.broadcast %max3A : f32 to vector<1024x1xf32>
    %max3A_6 = arith.maximumf %get3A_4, %max3A_5 : vector<1024x1xf32>
    %div3A = arith.constant 1.000000e+00 : f32
    %div3A_7 = vector.broadcast %div3A : f32 to vector<1024x1xf32>
    %div3A_8 = arith.divf %div3A_7, %max3A_6 : vector<1024x1xf32>
    %get3A_9 = arith.constant 0 : index
    %get3A_10 = arith.constant 0 : index
    %get3A_11 = vector.load %arg2[%get3A_9, %get3A_10] : memref<1024x128xf32, #tpu.memory_space<vmem>>, vector<1024x128xf32>
    %get3A_12 = arith.constant 0 : index
    %get3A_13 = arith.constant 0 : index
    %get3A_14 = vector.load %arg3[%get3A_12, %get3A_13] : memref<1024x128xf32, #tpu.memory_space<vmem>>, vector<1024x128xf32>
    %concatenate3A = tpu.concatenate %get3A_11, %get3A_14 in 1 : vector<1024x128xf32>, vector<1024x128xf32> -> vector<1024x256xf32>
    %mul3A = vector.broadcast %div3A_8 : vector<1024x1xf32> to vector<1024x256xf32>
    %mul3A_15 = arith.mulf %concatenate3A, %mul3A : vector<1024x256xf32>
    %get3A_16 = arith.constant 0 : index
    %get3A_17 = arith.constant 0 : index
    %get3A_18 = vector.load %arg5[%get3A_16, %get3A_17] : memref<256x256xf32, #tpu.memory_space<vmem>>, vector<256x256xf32>
    %dot_general3A = arith.constant dense<0.000000e+00> : vector<1024x256xf32>
    %dot_general3A_19 = tpu.matmul %get3A_1, %get3A_18, %dot_general3A {dimension_numbers = #tpu.dot_dimension_numbers<[1], [0], [0], [1], [0, 0, 1, 1], [], []>, transpose_lhs_hint = false} : vector<1024x256xf32>, vector<256x256xf32>, vector<1024x256xf32> -> vector<1024x256xf32>
    %get3A_20 = arith.constant 0 : index
    %get3A_21 = arith.constant 0 : index
    %get3A_22 = vector.load %arg6[%get3A_20, %get3A_21] : memref<256x256xf32, #tpu.memory_space<vmem>>, vector<256x256xf32>
    %dot_general3A_23 = arith.constant dense<0.000000e+00> : vector<1024x256xf32>
    %dot_general3A_24 = tpu.matmul %mul3A_15, %get3A_22, %dot_general3A_23 {dimension_numbers = #tpu.dot_dimension_numbers<[1], [0], [0], [1], [0, 0, 1, 1], [], []>, transpose_lhs_hint = false} : vector<1024x256xf32>, vector<256x256xf32>, vector<1024x256xf32> -> vector<1024x256xf32>
    %add3A = arith.addf %dot_general3A_19, %dot_general3A_24 : vector<1024x256xf32>
    %get3A_25 = arith.constant 0 : index
    %get3A_26 = arith.constant 0 : index
    %get3A_27 = vector.load %arg7[%get3A_25, %get3A_26] : memref<1x256xf32, #tpu.memory_space<vmem>>, vector<1x256xf32>
    %add3A_28 = vector.broadcast %get3A_27 : vector<1x256xf32> to vector<1024x256xf32>
    %add3A_29 = arith.addf %add3A, %add3A_28 : vector<1024x256xf32>
    %max3A_30 = arith.constant 0.000000e+00 : f32
    %max3A_31 = vector.broadcast %max3A_30 : f32 to vector<1024x256xf32>
    %max3A_32 = arith.maximumf %add3A_29, %max3A_31 : vector<1024x256xf32>
    %iota3A = tpu.iota {dimensions = array<i32: 0>} : vector<1024x1xi32>
    %mul3A_33 = arith.constant 1024 : i32
    %mul3A_34 = arith.muli %arg0, %mul3A_33 : i32
    %add3A_35 = vector.broadcast %mul3A_34 : i32 to vector<1024x1xi32>
    %add3A_36 = arith.addi %iota3A, %add3A_35 : vector<1024x1xi32>
    %lt3A = arith.constant 10000 : i32
    %lt3A_37 = vector.broadcast %lt3A : i32 to vector<1024x1xi32>
    %lt3A_38 = arith.cmpi slt, %add3A_36, %lt3A_37 : vector<1024x1xi32>
    %jit3A = arith.constant 0.000000e+00 : f32
    %broadcast_in_dim3A = vector.shape_cast %lt3A_38 : vector<1024x1xi1> to vector<1024x1xi1>
    %broadcast_in_dim3A_39 = vector.broadcast %broadcast_in_dim3A : vector<1024x1xi1> to vector<1024x256xi1>
    %broadcast_in_dim3A_40 = vector.broadcast %jit3A : f32 to vector<1024x256xf32>
    %select_n3A = arith.select %broadcast_in_dim3A_39, %max3A_32, %broadcast_in_dim3A_40 : vector<1024x256xi1>, vector<1024x256xf32>
    %reduce_sum3A = arith.constant dense<0.000000e+00> : vector<256xf32>
    %reduce_sum3A_41 = vector.multi_reduction <add>, %select_n3A, %reduce_sum3A [0] : vector<1024x256xf32> to vector<256xf32>
    %broadcast_in_dim3A_42 = vector.shape_cast %reduce_sum3A_41 : vector<256xf32> to vector<1x256xf32>
    %eq3A = arith.constant 0 : i32
    %eq3A_43 = arith.cmpi eq, %arg0, %eq3A : i32
    %convert_element_type3A = arith.extui %eq3A_43 : i1 to i32
    %cond3A = arith.constant 0 : i32
    %cond3A_44 = arith.cmpi ne, %convert_element_type3A, %cond3A : i32
    scf.if %cond3A_44 {
      %swap3A = arith.constant 0 : index
      %swap3A_54 = arith.constant 0 : index
      %swap3A_55 = vector.load %arg27[%swap3A, %swap3A_54] : memref<1x256xf32, #tpu.memory_space<vmem>>, vector<1x256xf32>
      tpu.vector_store %arg27[%swap3A, %swap3A_54], %broadcast_in_dim3A_42 {strides = array<i32>} : memref<1x256xf32, #tpu.memory_space<vmem>>, vector<1x256xf32>,
    } else {
    }
    %gt3A = arith.constant 0 : i32
    %gt3A_45 = arith.cmpi sgt, %arg0, %gt3A : i32
    %convert_element_type3A_46 = arith.extui %gt3A_45 : i1 to i32
    %cond3A_47 = arith.constant 0 : i32
    %cond3A_48 = arith.cmpi ne, %convert_element_type3A_46, %cond3A_47 : i32
    scf.if %cond3A_48 {
      %get3A_54 = arith.constant 0 : index
      %get3A_55 = arith.constant 0 : index
      %get3A_56 = vector.load %arg27[%get3A_54, %get3A_55] : memref<1x256xf32, #tpu.memory_space<vmem>>, vector<1x256xf32>
      %add3A_57 = arith.addf %get3A_56, %broadcast_in_dim3A_42 : vector<1x256xf32>
      %swap3A = arith.constant 0 : index
      %swap3A_58 = arith.constant 0 : index
      %swap3A_59 = vector.load %arg27[%swap3A, %swap3A_58] : memref<1x256xf32, #tpu.memory_space<vmem>>, vector<1x256xf32>
      tpu.vector_store %arg27[%swap3A, %swap3A_58], %add3A_57 {strides = array<i32>} : memref<1x256xf32, #tpu.memory_space<vmem>>, vector<1x256xf32>,
    } else {
    }
    %eq3A_49 = arith.constant 9 : i32
    %eq3A_50 = arith.cmpi eq, %arg0, %eq3A_49 : i32
    %convert_element_type3A_51 = arith.extui %eq3A_50 : i1 to i32
    %cond3A_52 = arith.constant 0 : i32
    %cond3A_53 = arith.cmpi ne, %convert_element_type3A_51, %cond3A_52 : i32
    scf.if %cond3A_53 {
      %get3A_54 = arith.constant 0 : index
      %get3A_55 = arith.constant 0 : index
      %get3A_56 = vector.load %arg27[%get3A_54, %get3A_55] : memref<1x256xf32, #tpu.memory_space<vmem>>, vector<1x256xf32>
      %mul3A_57 = arith.constant 9.99999974E-5 : f32
      %mul3A_58 = vector.broadcast %mul3A_57 : f32 to vector<1x256xf32>
      %mul3A_59 = arith.mulf %get3A_56, %mul3A_58 : vector<1x256xf32>
      %get3A_60 = arith.constant 0 : index
      %get3A_61 = arith.constant 0 : index
      %get3A_62 = vector.load %arg8[%get3A_60, %get3A_61] : memref<256x256xf32, #tpu.memory_space<vmem>>, vector<256x256xf32>
      %dot_general3A_63 = arith.constant dense<0.000000e+00> : vector<1x256xf32>
      %dot_general3A_64 = tpu.matmul %mul3A_59, %get3A_62, %dot_general3A_63 {dimension_numbers = #tpu.dot_dimension_numbers<[1], [0], [0], [1], [0, 0, 1, 1], [], []>, transpose_lhs_hint = false} : vector<1x256xf32>, vector<256x256xf32>, vector<1x256xf32> -> vector<1x256xf32>
      %get3A_65 = arith.constant 0 : index
      %get3A_66 = arith.constant 0 : index
      %get3A_67 = vector.load %arg9[%get3A_65, %get3A_66] : memref<1x256xf32, #tpu.memory_space<vmem>>, vector<1x256xf32>
      %add3A_68 = arith.addf %dot_general3A_64, %get3A_67 : vector<1x256xf32>
      %max3A_69 = arith.constant 0.000000e+00 : f32
      %max3A_70 = vector.broadcast %max3A_69 : f32 to vector<1x256xf32>
      %max3A_71 = arith.maximumf %add3A_68, %max3A_70 : vector<1x256xf32>
      %get3A_72 = arith.constant 0 : index
      %get3A_73 = arith.constant 0 : index
      %get3A_74 = vector.load %arg10[%get3A_72, %get3A_73] : memref<256x256xf32, #tpu.memory_space<vmem>>, vector<256x256xf32>
      %dot_general3A_75 = arith.constant dense<0.000000e+00> : vector<1x256xf32>
      %dot_general3A_76 = tpu.matmul %max3A_71, %get3A_74, %dot_general3A_75 {dimension_numbers = #tpu.dot_dimension_numbers<[1], [0], [0], [1], [0, 0, 1, 1], [], []>, transpose_lhs_hint = false} : vector<1x256xf32>, vector<256x256xf32>, vector<1x256xf32> -> vector<1x256xf32>
      %get3A_77 = arith.constant 0 : index
      %get3A_78 = arith.constant 0 : index
      %get3A_79 = vector.load %arg11[%get3A_77, %get3A_78] : memref<1x256xf32, #tpu.memory_space<vmem>>, vector<1x256xf32>
      %add3A_80 = arith.addf %dot_general3A_76, %get3A_79 : vector<1x256xf32>
      %max3A_81 = arith.constant 0.000000e+00 : f32
      %max3A_82 = vector.broadcast %max3A_81 : f32 to vector<1x256xf32>
      %max3A_83 = arith.maximumf %add3A_80, %max3A_82 : vector<1x256xf32>
      %get3A_84 = arith.constant 0 : index
      %get3A_85 = arith.constant 0 : index
      %get3A_86 = vector.load %arg12[%get3A_84, %get3A_85] : memref<256x256xf32, #tpu.memory_space<vmem>>, vector<256x256xf32>
      %dot_general3A_87 = arith.constant dense<0.000000e+00> : vector<1x256xf32>
      %dot_general3A_88 = tpu.matmul %max3A_83, %get3A_86, %dot_general3A_87 {dimension_numbers = #tpu.dot_dimension_numbers<[1], [0], [0], [1], [0, 0, 1, 1], [], []>, transpose_lhs_hint = false} : vector<1x256xf32>, vector<256x256xf32>, vector<1x256xf32> -> vector<1x256xf32>
      %get3A_89 = arith.constant 0 : index
      %get3A_90 = arith.constant 0 : index
      %get3A_91 = vector.load %arg13[%get3A_89, %get3A_90] : memref<1x256xf32, #tpu.memory_space<vmem>>, vector<1x256xf32>
      %add3A_92 = arith.addf %dot_general3A_88, %get3A_91 : vector<1x256xf32>
      %max3A_93 = arith.constant 0.000000e+00 : f32
      %max3A_94 = vector.broadcast %max3A_93 : f32 to vector<1x256xf32>
      %max3A_95 = arith.maximumf %add3A_92, %max3A_94 : vector<1x256xf32>
      %get3A_96 = arith.constant 0 : index
      %get3A_97 = arith.constant 0 : index
      %get3A_98 = vector.load %arg14[%get3A_96, %get3A_97] : memref<256x256xf32, #tpu.memory_space<vmem>>, vector<256x256xf32>
      %dot_general3A_99 = arith.constant dense<0.000000e+00> : vector<1x256xf32>
      %dot_general3A_100 = tpu.matmul %max3A_83, %get3A_98, %dot_general3A_99 {dimension_numbers = #tpu.dot_dimension_numbers<[1], [0], [0], [1], [0, 0, 1, 1], [], []>, transpose_lhs_hint = false} : vector<1x256xf32>, vector<256x256xf32>, vector<1x256xf32> -> vector<1x256xf32>
      %get3A_101 = arith.constant 0 : index
      %get3A_102 = arith.constant 0 : index
      %get3A_103 = vector.load %arg15[%get3A_101, %get3A_102] : memref<1x256xf32, #tpu.memory_space<vmem>>, vector<1x256xf32>
      %add3A_104 = arith.addf %dot_general3A_100, %get3A_103 : vector<1x256xf32>
      %max3A_105 = arith.constant 0.000000e+00 : f32
      %max3A_106 = vector.broadcast %max3A_105 : f32 to vector<1x256xf32>
      %max3A_107 = arith.maximumf %add3A_104, %max3A_106 : vector<1x256xf32>
      %get3A_108 = arith.constant 0 : index
      %get3A_109 = arith.constant 0 : index
      %get3A_110 = vector.load %arg22[%get3A_108, %get3A_109] : memref<1x256xf32, #tpu.memory_space<vmem>>, vector<1x256xf32>
      %mul3A_111 = arith.constant 5.000000e-01 : f32
      %mul3A_112 = vector.broadcast %mul3A_111 : f32 to vector<1x256xf32>
      %mul3A_113 = arith.mulf %mul3A_112, %max3A_107 : vector<1x256xf32>
      %exp3A = math.exp %mul3A_113 : vector<1x256xf32>
      %mul3A_114 = arith.mulf %get3A_110, %exp3A : vector<1x256xf32>
      %add3A_115 = arith.addf %max3A_95, %mul3A_114 : vector<1x256xf32>
      %get3A_116 = arith.constant 0 : index
      %get3A_117 = arith.constant 0 : index
      %get3A_118 = vector.load %arg16[%get3A_116, %get3A_117] : memref<256x256xf32, #tpu.memory_space<vmem>>, vector<256x256xf32>
      %dot_general3A_119 = arith.constant dense<0.000000e+00> : vector<1x256xf32>
      %dot_general3A_120 = tpu.matmul %add3A_115, %get3A_118, %dot_general3A_119 {dimension_numbers = #tpu.dot_dimension_numbers<[1], [0], [0], [1], [0, 0, 1, 1], [], []>, transpose_lhs_hint = false} : vector<1x256xf32>, vector<256x256xf32>, vector<1x256xf32> -> vector<1x256xf32>
      %get3A_121 = arith.constant 0 : index
      %get3A_122 = arith.constant 0 : index
      %get3A_123 = vector.load %arg17[%get3A_121, %get3A_122] : memref<1x256xf32, #tpu.memory_space<vmem>>, vector<1x256xf32>
      %add3A_124 = arith.addf %dot_general3A_120, %get3A_123 : vector<1x256xf32>
      %max3A_125 = arith.constant 0.000000e+00 : f32
      %max3A_126 = vector.broadcast %max3A_125 : f32 to vector<1x256xf32>
      %max3A_127 = arith.maximumf %add3A_124, %max3A_126 : vector<1x256xf32>
      %get3A_128 = arith.constant 0 : index
      %get3A_129 = arith.constant 0 : index
      %get3A_130 = vector.load %arg18[%get3A_128, %get3A_129] : memref<256x256xf32, #tpu.memory_space<vmem>>, vector<256x256xf32>
      %dot_general3A_131 = arith.constant dense<0.000000e+00> : vector<1x256xf32>
      %dot_general3A_132 = tpu.matmul %max3A_127, %get3A_130, %dot_general3A_131 {dimension_numbers = #tpu.dot_dimension_numbers<[1], [0], [0], [1], [0, 0, 1, 1], [], []>, transpose_lhs_hint = false} : vector<1x256xf32>, vector<256x256xf32>, vector<1x256xf32> -> vector<1x256xf32>
      %get3A_133 = arith.constant 0 : index
      %get3A_134 = arith.constant 0 : index
      %get3A_135 = vector.load %arg19[%get3A_133, %get3A_134] : memref<1x256xf32, #tpu.memory_space<vmem>>, vector<1x256xf32>
      %add3A_136 = arith.addf %dot_general3A_132, %get3A_135 : vector<1x256xf32>
      %max3A_137 = arith.constant 0.000000e+00 : f32
      %max3A_138 = vector.broadcast %max3A_137 : f32 to vector<1x256xf32>
      %max3A_139 = arith.maximumf %add3A_136, %max3A_138 : vector<1x256xf32>
      %get3A_140 = arith.constant 0 : index
      %get3A_141 = arith.constant 0 : index
      %get3A_142 = vector.load %arg20[%get3A_140, %get3A_141] : memref<256x1xf32, #tpu.memory_space<vmem>>, vector<256x1xf32>
      %dot_general3A_143 = arith.constant dense<0.000000e+00> : vector<1x1xf32>
      %dot_general3A_144 = tpu.matmul %max3A_139, %get3A_142, %dot_general3A_143 {dimension_numbers = #tpu.dot_dimension_numbers<[1], [0], [0], [1], [0, 0, 1, 1], [], []>, transpose_lhs_hint = false} : vector<1x256xf32>, vector<256x1xf32>, vector<1x1xf32> -> vector<1x1xf32>
      %get3A_145 = arith.constant 0 : index
      %get3A_146 = arith.constant 0 : index
      %get3A_147 = vector.load %arg21[%get3A_145, %get3A_146] : memref<1x1xf32, #tpu.memory_space<vmem>>, vector<1x1xf32>
      %add3A_148 = arith.addf %dot_general3A_144, %get3A_147 : vector<1x1xf32>
      %swap3A = arith.constant 0 : index
      %swap3A_149 = arith.constant 0 : index
      %swap3A_150 = vector.load %arg23[%swap3A, %swap3A_149] : memref<1x1xf32, #tpu.memory_space<vmem>>, vector<1x1xf32>
      tpu.vector_store %arg23[%swap3A, %swap3A_149], %add3A_148 {strides = array<i32>} : memref<1x1xf32, #tpu.memory_space<vmem>>, vector<1x1xf32>,
      %swap3A_151 = arith.constant 0 : index
      %swap3A_152 = arith.constant 0 : index
      %swap3A_153 = vector.load %arg24[%swap3A_151, %swap3A_152] : memref<1x256xf32, #tpu.memory_space<vmem>>, vector<1x256xf32>
      tpu.vector_store %arg24[%swap3A_151, %swap3A_152], %add3A_115 {strides = array<i32>} : memref<1x256xf32, #tpu.memory_space<vmem>>, vector<1x256xf32>,
      %swap3A_154 = arith.constant 0 : index
      %swap3A_155 = arith.constant 0 : index
      %swap3A_156 = vector.load %arg25[%swap3A_154, %swap3A_155] : memref<1x256xf32, #tpu.memory_space<vmem>>, vector<1x256xf32>
      tpu.vector_store %arg25[%swap3A_154, %swap3A_155], %max3A_95 {strides = array<i32>} : memref<1x256xf32, #tpu.memory_space<vmem>>, vector<1x256xf32>,
      %swap3A_157 = arith.constant 0 : index
      %swap3A_158 = arith.constant 0 : index
      %swap3A_159 = vector.load %arg26[%swap3A_157, %swap3A_158] : memref<1x256xf32, #tpu.memory_space<vmem>>, vector<1x256xf32>
      tpu.vector_store %arg26[%swap3A_157, %swap3A_158], %max3A_107 {strides = array<i32>} : memref<1x256xf32, #tpu.memory_space<vmem>>, vector<1x256xf32>,
    } else {
    }
    return
  }
  func.func @transform_0(%arg0: i32) -> (i32, i32) {
    %c0_i32 = arith.constant 0 : i32
    %c0_i32_0 = arith.constant 0 : i32
    return %arg0, %c0_i32 : i32, i32
  }
  func.func @transform_1(%arg0: i32) -> (i32, i32) {
    %c0_i32 = arith.constant 0 : i32
    %c0_i32_0 = arith.constant 0 : i32
    return %arg0, %c0_i32 : i32, i32
  }
  func.func @transform_2(%arg0: i32) -> (i32, i32) {
    %add3A = arith.constant 10 : i32
    %add3A_0 = arith.addi %arg0, %add3A : i32
    %c0_i32 = arith.constant 0 : i32
    %c0_i32_1 = arith.constant 0 : i32
    return %add3A_0, %c0_i32 : i32, i32
  }
  func.func @transform_3(%arg0: i32) -> (i32, i32) {
    %c0_i32 = arith.constant 0 : i32
    %c0_i32_0 = arith.constant 0 : i32
    return %arg0, %c0_i32 : i32, i32
  }
  func.func @transform_4(%arg0: i32) -> (i32, i32) {
    %c0_i32 = arith.constant 0 : i32
    %c0_i32_0 = arith.constant 0 : i32
    %c0_i32_1 = arith.constant 0 : i32
    return %c0_i32, %c0_i32_0 : i32, i32
  }
  func.func @transform_5(%arg0: i32) -> (i32, i32) {
    %c0_i32 = arith.constant 0 : i32
    %c0_i32_0 = arith.constant 0 : i32
    %c0_i32_1 = arith.constant 0 : i32
    return %c0_i32, %c0_i32_0 : i32, i32
  }
  func.func @transform_6(%arg0: i32) -> (i32, i32) {
    %c0_i32 = arith.constant 0 : i32
    %c0_i32_0 = arith.constant 0 : i32
    %c0_i32_1 = arith.constant 0 : i32
    return %c0_i32, %c0_i32_0 : i32, i32
  }
  func.func @transform_7(%arg0: i32) -> (i32, i32) {
    %c0_i32 = arith.constant 0 : i32
    %c0_i32_0 = arith.constant 0 : i32
    %c0_i32_1 = arith.constant 0 : i32
    return %c0_i32, %c0_i32_0 : i32, i32
  }
  func.func @transform_8(%arg0: i32) -> (i32, i32) {
    %c0_i32 = arith.constant 0 : i32
    %c0_i32_0 = arith.constant 0 : i32
    %c0_i32_1 = arith.constant 0 : i32
    return %c0_i32, %c0_i32_0 : i32, i32
  }
  func.func @transform_9(%arg0: i32) -> (i32, i32) {
    %c0_i32 = arith.constant 0 : i32
    %c0_i32_0 = arith.constant 0 : i32
    %c0_i32_1 = arith.constant 0 : i32
    return %c0_i32, %c0_i32_0 : i32, i32
  }
  func.func @transform_10(%arg0: i32) -> (i32, i32) {
    %c0_i32 = arith.constant 0 : i32
    %c0_i32_0 = arith.constant 0 : i32
    %c0_i32_1 = arith.constant 0 : i32
    return %c0_i32, %c0_i32_0 : i32, i32
  }
  func.func @transform_11(%arg0: i32) -> (i32, i32) {
    %c0_i32 = arith.constant 0 : i32
    %c0_i32_0 = arith.constant 0 : i32
    %c0_i32_1 = arith.constant 0 : i32
    return %c0_i32, %c0_i32_0 : i32, i32
  }
  func.func @transform_12(%arg0: i32) -> (i32, i32) {
    %c0_i32 = arith.constant 0 : i32
    %c0_i32_0 = arith.constant 0 : i32
    %c0_i32_1 = arith.constant 0 : i32
    return %c0_i32, %c0_i32_0 : i32, i32
  }
  func.func @transform_13(%arg0: i32) -> (i32, i32) {
    %c0_i32 = arith.constant 0 : i32
    %c0_i32_0 = arith.constant 0 : i32
    %c0_i32_1 = arith.constant 0 : i32
    return %c0_i32, %c0_i32_0 : i32, i32
  }
  func.func @transform_14(%arg0: i32) -> (i32, i32) {
    %c0_i32 = arith.constant 0 : i32
    %c0_i32_0 = arith.constant 0 : i32
    %c0_i32_1 = arith.constant 0 : i32
    return %c0_i32, %c0_i32_0 : i32, i32
  }
  func.func @transform_15(%arg0: i32) -> (i32, i32) {
    %c0_i32 = arith.constant 0 : i32
    %c0_i32_0 = arith.constant 0 : i32
    %c0_i32_1 = arith.constant 0 : i32
    return %c0_i32, %c0_i32_0 : i32, i32
  }
  func.func @transform_16(%arg0: i32) -> (i32, i32) {
    %c0_i32 = arith.constant 0 : i32
    %c0_i32_0 = arith.constant 0 : i32
    %c0_i32_1 = arith.constant 0 : i32
    return %c0_i32, %c0_i32_0 : i32, i32
  }
  func.func @transform_17(%arg0: i32) -> (i32, i32) {
    %c0_i32 = arith.constant 0 : i32
    %c0_i32_0 = arith.constant 0 : i32
    %c0_i32_1 = arith.constant 0 : i32
    return %c0_i32, %c0_i32_0 : i32, i32
  }
  func.func @transform_18(%arg0: i32) -> (i32, i32) {
    %c0_i32 = arith.constant 0 : i32
    %c0_i32_0 = arith.constant 0 : i32
    %c0_i32_1 = arith.constant 0 : i32
    return %c0_i32, %c0_i32_0 : i32, i32
  }
  func.func @transform_19(%arg0: i32) -> (i32, i32) {
    %c0_i32 = arith.constant 0 : i32
    %c0_i32_0 = arith.constant 0 : i32
    %c0_i32_1 = arith.constant 0 : i32
    return %c0_i32, %c0_i32_0 : i32, i32
  }
  func.func @transform_20(%arg0: i32) -> (i32, i32) {
    %c0_i32 = arith.constant 0 : i32
    %c0_i32_0 = arith.constant 0 : i32
    %c0_i32_1 = arith.constant 0 : i32
    return %c0_i32, %c0_i32_0 : i32, i32
  }
  func.func @transform_21(%arg0: i32) -> (i32, i32) {
    %c0_i32 = arith.constant 0 : i32
    %c0_i32_0 = arith.constant 0 : i32
    %c0_i32_1 = arith.constant 0 : i32
    return %c0_i32, %c0_i32_0 : i32, i32
  }
  func.func @transform_22(%arg0: i32) -> (i32, i32) {
    %c0_i32 = arith.constant 0 : i32
    %c0_i32_0 = arith.constant 0 : i32
    %c0_i32_1 = arith.constant 0 : i32
    return %c0_i32, %c0_i32_0 : i32, i32
  }
  func.func @transform_23(%arg0: i32) -> (i32, i32) {
    %c0_i32 = arith.constant 0 : i32
    %c0_i32_0 = arith.constant 0 : i32
    %c0_i32_1 = arith.constant 0 : i32
    return %c0_i32, %c0_i32_0 : i32, i32
  }
  func.func @transform_24(%arg0: i32) -> (i32, i32) {
    %c0_i32 = arith.constant 0 : i32
    %c0_i32_0 = arith.constant 0 : i32
    %c0_i32_1 = arith.constant 0 : i32
    return %c0_i32, %c0_i32_0 : i32, i32
  }
  func.func @transform_25(%arg0: i32) -> (i32, i32) {
    %c0_i32 = arith.constant 0 : i32
    %c0_i32_0 = arith.constant 0 : i32
    %c0_i32_1 = arith.constant 0 : i32
    return %c0_i32, %c0_i32_0 : i32, i32
  }
}

</mosaic_0001>

<sc_bundles>
// kernel: kernel.4.cloned.1.call-start
scs
__scs_entry_jumppad:
0x0: {  	(pc) =	sbr.rel $0x88, $3  }
0x1: {  	(tag) =	ssettag $0x0;
	lr =	simm.s32 $0x1  }
0x2: {  	[smem:$0x3F8C] =	sst lr;
	_ =	strace $0xD0000000  }
0x3: {  	_ = 	snop  }
0x4: {  	_ = 	snop  }
0x5: {  	_ = 	snop  }
0x6: {  	_ = 	snop  }
0x7: {  	_ = 	snop  }
__scs_overlays_trampoline_lowered:
0x8: {  	[smem:$0x3F9B] =	sst s0  }
0x9: {  	[smem:$0x3F9C] =	sst s1  }
0xa: {  	[smem:$0x3F9D] =	sst s2  }
0xb: {  	[smem:$0x3F9E] =	sst s3  }
0xc: {  	[smem:$0x3F9F] =	sst s4  }
0xd: {  	[smem:$0x3FA0] =	sst s5  }
0xe: {  	[smem:$0x3FA1] =	sst s6  }
0xf: {  	[smem:$0x3FA2] =	sst s7  }
0x10: {  	[smem:$0x3FA3] =	sst s8  }
0x11: {  	[smem:$0x3FA4] =	sst s9;
	s0 =	simm.s32 @!p0 $0x0  }
0x12: {  	s1 =	sld [smem:$0x3F8A];
	s0 =	simm.s32 @p0 $0x1  }
0x13: {  	[smem:$0x3FA5] =	sst s0;
	s0 =	simm.s32 @!p1 $0x0  }
0x14: {  	s2 =	sld [smem:$0x3F89];
	s0 =	simm.s32 @p1 $0x1  }
0x15: {  	[smem:$0x3FA6] =	sst s0;
	s0 =	simm.s32 @!p2 $0x0  }
0x16: {  	s3 =	sld [smem:$0x3FDB];
	s0 =	simm.s32 @p2 $0x1  }
0x17: {  	s4 =	simm.s32 $0x1BF5;
	[smem:$0x3FA8] =	sst s0  }
0x18: {  	s0 =	sld [smem:$0x3F8B];
	_ =	swait.ge [sflag:s4], $0x0  }
0x19: {  	s7 =	sld [smem:$0x3F8C]  }
0x1a: {  	s8 =	sadd.s32 $0xFFFFE003, lr  }
0x1b: {  	s9 =	sadd.s32 $0xFFFFFEF7, lr;
	s5 =	simm.s32 $0xFFFFFFFF;
	p2 =	slt.u32 s8, $0xFFFFF086  }
0x1c: {  	p1 =	slt.u32 s9, $0xF7A;
	s5 =	simm.s32 @!p2 $0x0  }
0x1d: {  	s5 =	simm.s32 @p1 $0x1;
	p0 =	seq.s32 s7, s2  }
0x1e: {  	s7 =	smul.u32 @!p0 $0xF7A, s2;
	p2 =	seq.s32 @!p0 s5, $0x0  }
0x1f: {  	s9 =	smul.u32 $0xF7A, s1;
	s8 =	simm.s32 @!p0 $0x1BF5;
	p2 =	por !p2, p0  }
0x20: {  	[sflag:s8] =	ssyncset.s32 @!p0 $0xFFFFF086;
	s6 =	sadd.s32 @!p0 s3, s7;
	s7 =	simm.s32 @!p0 $0x108  }
0x21: {  	s3 =	sadd.s32 s3, s9;
	s6 =	sadd.s32 @!p0 $0x88, s6;
	s7 =	simm.s32 @p2 $0x1082  }
0x22: {  	[simem:s7], [sflag:s8] =	dma.local @!p0 [hbm:s6], $0xF7A  }
0x23: {  	s9 =	sor.u32 $0xD0000000, s2;
	s6 =	simm.s32 $0x108;
	_ =	swait.ge @!p0 [sflag:s8], $0x0  }
0x24: {  	s3 =	sadd.s32 $0x88, s3;
	s6 =	simm.s32 @!p1 $0x1082;
	[sflag:s4] =	ssyncset.s32 $0xFFFFF086  }
0x25: {  	[simem:s6], [sflag:s4] =	dma.local [hbm:s3], $0xF7A  }
0x26: {  	[smem:$0x3F8C] =	sst s1;
	(tag) =	ssettag s2;
	_ =	strace s9  }
0x27: {  	s1 =	sld [smem:$0x3F9C]  }
0x28: {  	s2 =	sld [smem:$0x3F9D]  }
0x29: {  	s4 =	sld [smem:$0x3F9F]  }
0x2a: {  	p0 =	seq.s32 s5, $0x0;
	s5 =	sld [smem:$0x3FA0]  }
0x2b: {  	s6 =	sld [smem:$0x3FA1]  }
0x2c: {  	s7 =	sld [smem:$0x3FA2]  }
0x2d: {  	s3 =	simm.s32 $0x108;
	s8 =	sld [smem:$0x3FA3]  }
0x2e: {  	s3 =	simm.s32 @!p0 $0x1082;
	s9 =	sld [smem:$0x3FA4]  }
0x2f: {  	lr =	sadd.s32 s0, s3;
	s0 =	sld [smem:$0x3F9B]  }
0x30: {  	s3 =	sld [smem:$0x3F9E]  }
0x31: {  	[smem:$0x3FA7] =	sst s10  }
0x32: {  	s10 =	sld [smem:$0x3FA5];
	_ =	sdelay $0x3  }
0x33: {  	p0 =	seq.s32 s10, $0x1;
	s10 =	sld [smem:$0x3FA7];
	_ =	sdelay $0x3  }
0x34: {  	[smem:$0x3FA7] =	sst s10  }
0x35: {  	s10 =	sld [smem:$0x3FA6];
	_ =	sdelay $0x3  }
0x36: {  	p1 =	seq.s32 s10, $0x1;
	s10 =	sld [smem:$0x3FA7];
	_ =	sdelay $0x3  }
0x37: {  	[smem:$0x3FA7] =	sst s10  }
0x38: {  	s10 =	sld [smem:$0x3FA8]  }
0x39: {  	_ = 	snop;
	(pc) =	sbr.ind lr, $3  }
0x3a: {  	_ = 	snop  }
0x3b: {  	_ = 	snop  }
0x3c: {  	p2 =	seq.s32 s10, $0x1;
	s10 =	sld [smem:$0x3FA7]  }
0x3d: {  	_ =	shalt  }
0x3e: {  	_ =	shalt  }
0x3f: {  	_ =	shalt  }
0x40: {  	_ =	shalt  }
0x41: {  	_ =	shalt  }
0x42: {  	_ =	shalt  }
0x43: {  	_ =	shalt  }
0x44: {  	_ =	shalt  }
0x45: {  	_ =	shalt  }
0x46: {  	_ =	shalt  }
0x47: {  	_ =	shalt  }
0x48: {  	_ =	shalt  }
0x49: {  	_ =	shalt  }
0x4a: {  	_ =	shalt  }
0x4b: {  	_ =	shalt  }
0x4c: {  	_ =	shalt  }
0x4d: {  	_ =	shalt  }
0x4e: {  	_ =	shalt  }
0x4f: {  	_ =	shalt  }
0x50: {  	_ =	shalt  }
0x51: {  	_ =	shalt  }
0x52: {  	_ =	shalt  }
0x53: {  	_ =	shalt  }
0x54: {  	_ =	shalt  }
0x55: {  	_ =	shalt  }
0x56: {  	_ =	shalt  }
0x57: {  	_ =	shalt  }
0x58: {  	_ =	shalt  }
0x59: {  	_ =	shalt  }
0x5a: {  	_ =	shalt  }
0x5b: {  	_ =	shalt  }
0x5c: {  	_ =	shalt  }
0x5d: {  	_ =	shalt  }
0x5e: {  	_ =	shalt  }
0x5f: {  	_ =	shalt  }
0x60: {  	_ =	shalt  }
0x61: {  	_ =	shalt  }
0x62: {  	_ =	shalt  }
0x63: {  	_ =	shalt  }
0x64: {  	_ =	shalt  }
0x65: {  	_ =	shalt  }
0x66: {  	_ =	shalt  }
0x67: {  	_ =	shalt  }
0x68: {  	_ =	shalt  }
0x69: {  	_ =	shalt  }
0x6a: {  	_ =	shalt  }
0x6b: {  	_ =	shalt  }
0x6c: {  	_ =	shalt  }
0x6d: {  	_ =	shalt  }
0x6e: {  	_ =	shalt  }
0x6f: {  	_ =	shalt  }
0x70: {  	_ =	shalt  }
0x71: {  	_ =	shalt  }
0x72: {  	_ =	shalt  }
0x73: {  	_ =	shalt  }
0x74: {  	_ =	shalt  }
0x75: {  	_ =	shalt  }
0x76: {  	_ =	shalt  }
0x77: {  	_ =	shalt  }
0x78: {  	_ =	shalt  }
0x79: {  	_ =	shalt  }
0x7a: {  	_ =	shalt  }
0x7b: {  	_ =	shalt  }
0x7c: {  	_ =	shalt  }
0x7d: {  	_ =	shalt  }
0x7e: {  	_ =	shalt  }
0x7f: {  	_ =	shalt  }
0x80: {  	_ =	shalt  }
0x81: {  	_ =	shalt  }
0x82: {  	_ =	shalt  }
0x83: {  	_ =	shalt  }
0x84: {  	_ =	shalt  }
0x85: {  	_ =	shalt  }
0x86: {  	_ =	shalt  }
0x87: {  	_ =	shalt  }
.Lfunc_end0:
.L_simem_size_0:
called_computation.2_lowered:
.L_overlay_start_0:
0x88: {  	s2 =	sld [smem:$0x3FD9]  }
0x89: {  	s3 =	sld [smem:$0x3FFE];
	_ =	sdelay $0x1  }
0x8a: {  	s1 =	srdreg.scid  }
0x8b: {  	s0 =	sand.u32 $0x1, s1  }
0x8c: {  	s17 =	sshll.u32 s0, $0xA;
	s2 =	sadd.s32 s3, s2  }
0x8d: {  	s2 =	sadd.s32 s2, s17  }
0x8e: {  	[smem:$0x3FB3] =	sst s2  }
0x8f: {  	_ = 	snop  }
0x90: {  	s2 =	sld [smem:$0x3FC7];
	(tm) =	ssettm $0x1  }
0x91: {  	s18 =	sld [smem:$0x3FFB];
	_ =	sdelay $0x3  }
0x92: {  	_ =	strace s18  }
0x93: {  	s3 =	sld [smem:$0x3FFC];
	_ =	sdelay $0x3  }
0x94: {  	_ =	strace s3  }
0x95: {  	s3 =	sld [smem:$0x3FFD];
	_ =	sdelay $0x3  }
0x96: {  	_ =	strace s3  }
0x97: {  	_ =	strace $0x8FFFFFFF  }
0x98: {  	s19 =	sld [smem:$0x3FDB];
	_ =	sdelay $0x1  }
0x99: {  	s4 =	simm.s32 $_scs_section_size  }
0x9a: {  	s5 =	simm.s32 $_size__tile_overlayer_lowered;
	s6 =	simm.s32 $_tile_overlayer_lowered  }
0x9b: {  	s22 =	simm.s32 $0x1BFF;
	s21 =	sshll.u32 s6, $0x1;
	s3 =	sadd.s32 s4, s19  }
0x9c: {  	s7 =	simm.s32 $0x0;
	s20 =	sshll.u32 s5, $0x1;
	s5 =	sadd.s32 s21, s3  }
0x9d: {  	[timem:s7], [sflag:s22] =	dma.local [hbm:s5], s20  }
0x9e: {  	_ =	swait.ge [sflag:s22], s20  }
0x9f: {  	s4 =	ssub.s32 $0x0, s20;
	[sflag:s22] =	ssyncset.done $0x0  }
0xa0: {  	[sflag:s22] =	ssyncadd.s32 s4;
	_ =	sdelay $0x1  }
0xa1: {  	s23 =	simm.s32 $0x1B8B  }
0xa2: {  	_ =	swait.ge [sflag:s23], $0x1  }
0xa3: {  	[sflag:s23] =	ssyncset.done $0x0  }
0xa4: {  	s25 =	simm.s32 $0x1B8E;
	s24 =	sld [smem:$0x3FFE];
	[sflag:s23] =	ssyncadd.s32 $0xFFFFFFFF  }
0xa5: {  	s26 =	simm.s32 $execute0_lowered;
	[smem:$0x3FD2] =	sst s25  }
0xa6: {  	s5 =	sshll.u32 s26, $0x1;
	_ =	strace $0x80000046;
	[dreg:$0x1] =	wrdreg $0xFFFFFFFF  }
0xa7: {  	s28 =	simm.s32 $_size_execute0_lowered;
	s3 =	sadd.s32 s3, s5;
	[dreg:$0x0] =	wrdreg $0x0  }
0xa8: {  	s5 =	sshll.u32 s28, $0x1;
	[dreg:$0x2] =	wrdreg s3  }
0xa9: {  	[dreg:$0x3] =	wrdreg s5  }
0xaa: {  	[dreg:$0x4] =	wrdreg $0xC0  }
0xab: {  	_ =	task [dreg:s7], $0x5FFFF  }
0xac: {  	[dreg:$0x1] =	wrdreg $0xFFFFFFFF  }
0xad: {  	[dreg:$0x0] =	wrdreg $0x60  }
0xae: {  	[dreg:$0x2] =	wrdreg s24  }
0xaf: {  	[dreg:$0x3] =	wrdreg s2  }
0xb0: {  	[dreg:$0x4] =	wrdreg $0x9  }
0xb1: {  	_ =	task.clear_ibuf [dreg:s7], $0x5FFFF;
	_ =	strace $0x90000046  }
0xb2: {  	s29 =	simm.s32 $0x9;
	_ =	strace $0x80000048  }
0xb3: {  	_ =	swait.ge [sflag:s29], $0x1  }
0xb4: {  	[sflag:s29] =	ssyncadd.s32 $0xFFFFFFFF  }
0xb5: {  	_ =	strace $0x90000048  }
0xb6: {  	_ =	sfence  }
0xb7: {  	s30 =	sld [smem:$0x0];
	_ =	sdelay $0x2  }
0xb8: {  	s31 =	sshll.u32 s1, $0xD;
	s1 =	sshrl.u32 s1, $0x2  }
0xb9: {  	s3 =	sand.u32 $0x4000, s31;
	s1 =	sadd.s32 s1, s30  }
0xba: {  	s0 =	sor.u32 s3, s0;
	s1 =	sshll.u32 s1, $0x11  }
0xbb: {  	s0 =	sor.u32 s1, s0  }
0xbc: {  	s0 =	sadd.s32 $0x8F2B, s0  }
0xbd: {  	[sflag:s0] =	ssyncadd.remote.s32 $0x1  }
0xbe: {  	_ =	sfence.sel $0xFFFF  }
0xbf: {  	[dreg:$0x0] =	wrdreg $0xFFFFFFFF;
	(pc) =	sbr.abs _section_cstart, $3  }
0xc0: {  	[dreg:$0x1] =	wrdreg $0xFFFFFFFF  }
0xc1: {  	_ =	task.clear_ibuf [dreg:s7], $0x2FFFF;
	_ =	strace $0x9FFFFFFF  }
0xc2: {  	(tm) =	ssettm $0x7FFFFFFF  }
0xc3: {  	_ =	shalt  }
tec
execute0_lowered:
.L_overlay_start_1:
0x0: {  	(tag) =	ssettag $0x1  }
0x1: {  	s1 =	srdreg.scid  }
0x2: {  	s0 =	stileid.u32;
	s4 =	rddreg [dreg:$0x0];
	s3 =	simm.s32 $0x0  }
0x3: {  	s1 =	sand.u32 $0x1, s1;
	s2 =	sshll.u32 s0, $0x1;
	[smem:$0x7FF] =	sst s3  }
0x4: {  	s11 =	simm.s32 $0x980;
	s5 =	sor.u32 s1, s2;
	s2 =	rddreg [dreg:$0x1]  }
0x5: {  	s12 =	simm.s32 $0x1180;
	_ =	strace $0x80000047;
	[dreg:$0x5] =	wrdreg s11  }
0x6: {  	s13 =	simm.s32 $0x1980;
	[dreg:$0x6] =	wrdreg s12  }
0x7: {  	s14 =	simm.s32 $0x2180;
	[dreg:$0x7] =	wrdreg s13  }
0x8: {  	s15 =	simm.s32 $0x2980;
	[dreg:$0x8] =	wrdreg s14  }
0x9: {  	s16 =	simm.s32 $0x3180;
	[dreg:$0x9] =	wrdreg s15  }
0xa: {  	s17 =	simm.s32 $0x3980;
	[dreg:$0xa] =	wrdreg s16  }
0xb: {  	s18 =	simm.s32 $0x4180;
	[dreg:$0xb] =	wrdreg s17  }
0xc: {  	s19 =	simm.s32 $0x4980;
	[dreg:$0xc] =	wrdreg s18  }
0xd: {  	s20 =	simm.s32 $0x5180;
	s21 =	simm.s32 $0x5980;
	[dreg:$0xd] =	wrdreg s19  }
0xe: {  	s23 =	simm.s32 $0x6180;
	s24 =	simm.s32 $0x6980;
	[dreg:$0xe] =	wrdreg s20  }
0xf: {  	s25 =	simm.s32 $0x7180;
	s26 =	simm.s32 $0x7980;
	[dreg:$0xf] =	wrdreg s21  }
0x10: {  	s8 =	simm.s32 $0x8980;
	s9 =	simm.s32 $0x9180;
	[dreg:$0x10] =	wrdreg s23  }
0x11: {  	s28 =	simm.s32 $0x12180;
	s29 =	simm.s32 $0x12980;
	[dreg:$0x11] =	wrdreg s24  }
0x12: {  	s30 =	simm.s32 $0x13180;
	s31 =	simm.s32 $0x13980;
	[dreg:$0x12] =	wrdreg s25  }
0x13: {  	s1 =	ssub.s32 $0x2, s1;
	[dreg:$0x13] =	wrdreg s26;
	s11 =	simm.s32 $0xA180  }
0x14: {  	s12 =	simm.s32 $0xA980;
	s13 =	simm.s32 $0xB180;
	s14 =	simm.s32 $0xB980  }
0x15: {  	s15 =	simm.s32 $0xC180;
	s16 =	simm.s32 $0xC980;
	s17 =	simm.s32 $0xD180  }
0x16: {  	s18 =	simm.s32 $0xD980;
	s19 =	simm.s32 $0xE180;
	s20 =	simm.s32 $0xE980  }
0x17: {  	s21 =	simm.s32 $0xF180;
	s23 =	simm.s32 $0x10180;
	s6 =	smul.u32 $0x28, s5  }
0x18: {  	s24 =	simm.s32 $0x10980;
	s25 =	simm.s32 $0x11180;
	s5 =	smul.u32 $0x2800, s5  }
0x19: {  	s26 =	simm.s32 $0x11980;
	s22 =	sshrl.u32 s1, $0x1;
	s6 =	sadd.s32 s6, s4  }
0x1a: {  	s1 =	ssub.s32 s1, s22;
	s4 =	sadd.s32 s5, s4;
	s10 =	sadd.s32 $0x1000, s6  }
0x1b: {  	v2 =	vlaneseq.u32;
	s22 =	simm.s32 $0xF980;
	s4 =	sadd.s32 $0x1600, s4;
	[dreg:$0x3] =	wrdreg s10  }
0x1c: {  	vm0 =	vmmov $0xffff;
	v1 =	vshrl.u32 v2, $0x3;
	s5 =	simm.s32 $0x2;
	s6 =	simm.s32 $0x180;
	[dreg:$0x4] =	wrdreg s4  }
0x1d: {  	v0 =	vand.u32 $0x7, v2;
	v2 =	vor.u32 $0x8, v2;
	v1 =	vmul.u32 $0x8, v1;
	s4 =	smax.u32 s1, $0x1;
	s10 =	simm.s32 $0x9980;
	s1 =	simm.s32 $0x1  }
.LBB2_1:
0x1e: {  	s0 =	rddreg [dreg:$0x3]  }
0x1f: {  	[tilespmem:s3], [sflag:$0x2] =	stream.linear.gather [hbm4b:s0+s3], $0x140, $0x38;
	[tilespmem:$0x14180] =	vst v63  }
0x20: {  	_ =	swait.ge [sflag:s5], $0x140  }
0x21: {  	[sflag:s5] =	ssyncset.done $0x0  }
0x22: {  	[sflag:s5] =	ssyncadd.s32 $0xFFFFFEC0  }
0x23: {  	v3 =	vld [tilespmem:$0x0];
	_ =	sdelay $0x4  }
0x24: {  	v4 =	vshll.u32 v3, $0x1  }
0x25: {  	v3 =	vand.u32 $0x7, v3;
	v4 =	vand.u32 $0xFFFFFFF0, v4  }
0x26: {  	v3 =	vor.u32 v3, v4  }
0x27: {  	v4 =	vperm.xlane v3, v0;
	_ =	sdelay $0x1  }
0x28: {  	v3 =	vperm.xlane v3, v2;
	v4 =	vadd.s32 v1, v4;
	_ =	sdelay $0x1  }
0x29: {  	v3 =	vadd.s32 v1, v3;
	_ =	sdelay $0x2  }
0x2a: {  	[tilespmem:s6], [sflag:$0x1] =	stream.indirect_vreg.gather [hbm4b:s2+s3], $0x80, v4, vm0, $0xb8;
	[tilespmem:$0x14180] =	vst v63  }
0x2b: {  	s7 =	rddreg [dreg:$0x5]  }
0x2c: {  	[tilespmem:s7], [sflag:$0x1] =	stream.indirect_vreg.gather [hbm4b:s2+s3], $0x80, v3, vm0, $0xb8;
	[tilespmem:$0x14180] =	vst v63  }
0x2d: {  	v3 =	vld [tilespmem:$0x10];
	_ =	sdelay $0x4  }
0x2e: {  	v45 =	vshll.u32 v3, $0x1  }
0x2f: {  	v3 =	vand.u32 $0x7, v3;
	v4 =	vand.u32 $0xFFFFFFF0, v45  }
0x30: {  	v3 =	vor.u32 v3, v4  }
0x31: {  	v4 =	vperm.xlane v3, v0;
	_ =	sdelay $0x1  }
0x32: {  	v3 =	vperm.xlane v3, v2;
	v4 =	vadd.s32 v1, v4;
	_ =	sdelay $0x1  }
0x33: {  	v3 =	vadd.s32 v1, v3;
	_ =	sdelay $0x1  }
0x34: {  	s0 =	rddreg [dreg:$0x6]  }
0x35: {  	[tilespmem:s0], [sflag:$0x1] =	stream.indirect_vreg.gather [hbm4b:s2+s3], $0x80, v4, vm0, $0xb8;
	[tilespmem:$0x14180] =	vst v63  }
0x36: {  	s7 =	rddreg [dreg:$0x7]  }
0x37: {  	[tilespmem:s7], [sflag:$0x1] =	stream.indirect_vreg.gather [hbm4b:s2+s3], $0x80, v3, vm0, $0xb8;
	[tilespmem:$0x14180] =	vst v63  }
0x38: {  	v3 =	vld [tilespmem:$0x20];
	_ =	sdelay $0x4  }
0x39: {  	v46 =	vshll.u32 v3, $0x1  }
0x3a: {  	v3 =	vand.u32 $0x7, v3;
	v4 =	vand.u32 $0xFFFFFFF0, v46  }
0x3b: {  	v3 =	vor.u32 v3, v4  }
0x3c: {  	v4 =	vperm.xlane v3, v0;
	_ =	sdelay $0x1  }
0x3d: {  	v3 =	vperm.xlane v3, v2;
	v4 =	vadd.s32 v1, v4;
	_ =	sdelay $0x1  }
0x3e: {  	v3 =	vadd.s32 v1, v3;
	_ =	sdelay $0x1  }
0x3f: {  	s0 =	rddreg [dreg:$0x8]  }
0x40: {  	[tilespmem:s0], [sflag:$0x1] =	stream.indirect_vreg.gather [hbm4b:s2+s3], $0x80, v4, vm0, $0xb8;
	[tilespmem:$0x14180] =	vst v63  }
0x41: {  	s7 =	rddreg [dreg:$0x9]  }
0x42: {  	[tilespmem:s7], [sflag:$0x1] =	stream.indirect_vreg.gather [hbm4b:s2+s3], $0x80, v3, vm0, $0xb8;
	[tilespmem:$0x14180] =	vst v63  }
0x43: {  	v3 =	vld [tilespmem:$0x30];
	_ =	sdelay $0x4  }
0x44: {  	v47 =	vshll.u32 v3, $0x1  }
0x45: {  	v3 =	vand.u32 $0x7, v3;
	v4 =	vand.u32 $0xFFFFFFF0, v47  }
0x46: {  	v3 =	vor.u32 v3, v4  }
0x47: {  	v4 =	vperm.xlane v3, v0;
	_ =	sdelay $0x1  }
0x48: {  	v3 =	vperm.xlane v3, v2;
	v4 =	vadd.s32 v1, v4;
	_ =	sdelay $0x1  }
0x49: {  	v3 =	vadd.s32 v1, v3;
	_ =	sdelay $0x1  }
0x4a: {  	s0 =	rddreg [dreg:$0xa]  }
0x4b: {  	[tilespmem:s0], [sflag:$0x1] =	stream.indirect_vreg.gather [hbm4b:s2+s3], $0x80, v4, vm0, $0xb8;
	[tilespmem:$0x14180] =	vst v63  }
0x4c: {  	s7 =	rddreg [dreg:$0xb]  }
0x4d: {  	[tilespmem:s7], [sflag:$0x1] =	stream.indirect_vreg.gather [hbm4b:s2+s3], $0x80, v3, vm0, $0xb8;
	[tilespmem:$0x14180] =	vst v63  }
0x4e: {  	v3 =	vld [tilespmem:$0x40];
	_ =	sdelay $0x4  }
0x4f: {  	v48 =	vshll.u32 v3, $0x1  }
0x50: {  	v3 =	vand.u32 $0x7, v3;
	v4 =	vand.u32 $0xFFFFFFF0, v48  }
0x51: {  	v3 =	vor.u32 v3, v4  }
0x52: {  	v4 =	vperm.xlane v3, v0;
	_ =	sdelay $0x1  }
0x53: {  	v3 =	vperm.xlane v3, v2;
	v4 =	vadd.s32 v1, v4;
	_ =	sdelay $0x1  }
0x54: {  	v3 =	vadd.s32 v1, v3;
	_ =	sdelay $0x1  }
0x55: {  	s0 =	rddreg [dreg:$0xc]  }
0x56: {  	[tilespmem:s0], [sflag:$0x1] =	stream.indirect_vreg.gather [hbm4b:s2+s3], $0x80, v4, vm0, $0xb8;
	[tilespmem:$0x14180] =	vst v63  }
0x57: {  	s7 =	rddreg [dreg:$0xd]  }
0x58: {  	[tilespmem:s7], [sflag:$0x1] =	stream.indirect_vreg.gather [hbm4b:s2+s3], $0x80, v3, vm0, $0xb8;
	[tilespmem:$0x14180] =	vst v63  }
0x59: {  	v3 =	vld [tilespmem:$0x50];
	_ =	sdelay $0x4  }
0x5a: {  	v49 =	vshll.u32 v3, $0x1  }
0x5b: {  	v3 =	vand.u32 $0x7, v3;
	v4 =	vand.u32 $0xFFFFFFF0, v49  }
0x5c: {  	v3 =	vor.u32 v3, v4  }
0x5d: {  	v4 =	vperm.xlane v3, v0;
	_ =	sdelay $0x1  }
0x5e: {  	v3 =	vperm.xlane v3, v2;
	v4 =	vadd.s32 v1, v4;
	_ =	sdelay $0x1  }
0x5f: {  	v3 =	vadd.s32 v1, v3;
	_ =	sdelay $0x1  }
0x60: {  	s0 =	rddreg [dreg:$0xe]  }
0x61: {  	[tilespmem:s0], [sflag:$0x1] =	stream.indirect_vreg.gather [hbm4b:s2+s3], $0x80, v4, vm0, $0xb8;
	[tilespmem:$0x14180] =	vst v63  }
0x62: {  	s7 =	rddreg [dreg:$0xf]  }
0x63: {  	[tilespmem:s7], [sflag:$0x1] =	stream.indirect_vreg.gather [hbm4b:s2+s3], $0x80, v3, vm0, $0xb8;
	[tilespmem:$0x14180] =	vst v63  }
0x64: {  	v3 =	vld [tilespmem:$0x60];
	_ =	sdelay $0x4  }
0x65: {  	v50 =	vshll.u32 v3, $0x1  }
0x66: {  	v3 =	vand.u32 $0x7, v3;
	v4 =	vand.u32 $0xFFFFFFF0, v50  }
0x67: {  	v3 =	vor.u32 v3, v4  }
0x68: {  	v4 =	vperm.xlane v3, v0;
	_ =	sdelay $0x1  }
0x69: {  	v3 =	vperm.xlane v3, v2;
	v4 =	vadd.s32 v1, v4;
	_ =	sdelay $0x1  }
0x6a: {  	v3 =	vadd.s32 v1, v3;
	_ =	sdelay $0x1  }
0x6b: {  	s0 =	rddreg [dreg:$0x10]  }
0x6c: {  	[tilespmem:s0], [sflag:$0x1] =	stream.indirect_vreg.gather [hbm4b:s2+s3], $0x80, v4, vm0, $0xb8;
	[tilespmem:$0x14180] =	vst v63  }
0x6d: {  	s7 =	rddreg [dreg:$0x11]  }
0x6e: {  	[tilespmem:s7], [sflag:$0x1] =	stream.indirect_vreg.gather [hbm4b:s2+s3], $0x80, v3, vm0, $0xb8;
	[tilespmem:$0x14180] =	vst v63  }
0x6f: {  	v3 =	vld [tilespmem:$0x70];
	_ =	sdelay $0x4  }
0x70: {  	v51 =	vshll.u32 v3, $0x1  }
0x71: {  	v3 =	vand.u32 $0x7, v3;
	v4 =	vand.u32 $0xFFFFFFF0, v51  }
0x72: {  	v3 =	vor.u32 v3, v4  }
0x73: {  	v4 =	vperm.xlane v3, v0;
	_ =	sdelay $0x1  }
0x74: {  	v3 =	vperm.xlane v3, v2;
	v4 =	vadd.s32 v1, v4;
	_ =	sdelay $0x1  }
0x75: {  	v3 =	vadd.s32 v1, v3;
	_ =	sdelay $0x1  }
0x76: {  	s0 =	rddreg [dreg:$0x12]  }
0x77: {  	[tilespmem:s0], [sflag:$0x1] =	stream.indirect_vreg.gather [hbm4b:s2+s3], $0x80, v4, vm0, $0xb8;
	[tilespmem:$0x14180] =	vst v63  }
0x78: {  	s7 =	rddreg [dreg:$0x13]  }
0x79: {  	[tilespmem:s7], [sflag:$0x1] =	stream.indirect_vreg.gather [hbm4b:s2+s3], $0x80, v3, vm0, $0xb8;
	[tilespmem:$0x14180] =	vst v63  }
0x7a: {  	v3 =	vld [tilespmem:$0x80];
	_ =	sdelay $0x4  }
0x7b: {  	v52 =	vshll.u32 v3, $0x1  }
0x7c: {  	v3 =	vand.u32 $0x7, v3;
	v4 =	vand.u32 $0xFFFFFFF0, v52  }
0x7d: {  	v3 =	vor.u32 v3, v4  }
0x7e: {  	v4 =	vperm.xlane v3, v0;
	_ =	sdelay $0x1  }
0x7f: {  	v3 =	vperm.xlane v3, v2;
	v4 =	vadd.s32 v1, v4;
	_ =	sdelay $0x1  }
0x80: {  	v3 =	vadd.s32 v1, v3;
	_ =	sdelay $0x1  }
0x81: {  	s7 =	simm.s32 $0x8180  }
0x82: {  	[tilespmem:s7], [sflag:$0x1] =	stream.indirect_vreg.gather [hbm4b:s2+s3], $0x80, v4, vm0, $0xb8;
	[tilespmem:$0x14180] =	vst v63  }
0x83: {  	_ = 	snop  }
0x84: {  	[tilespmem:s8], [sflag:$0x1] =	stream.indirect_vreg.gather [hbm4b:s2+s3], $0x80, v3, vm0, $0xb8;
	[tilespmem:$0x14180] =	vst v63  }
0x85: {  	v3 =	vld [tilespmem:$0x90];
	_ =	sdelay $0x4  }
0x86: {  	v53 =	vshll.u32 v3, $0x1  }
0x87: {  	v3 =	vand.u32 $0x7, v3;
	v4 =	vand.u32 $0xFFFFFFF0, v53  }
0x88: {  	v3 =	vor.u32 v3, v4  }
0x89: {  	v4 =	vperm.xlane v3, v0;
	_ =	sdelay $0x1  }
0x8a: {  	v3 =	vperm.xlane v3, v2;
	v4 =	vadd.s32 v1, v4;
	_ =	sdelay $0x1  }
0x8b: {  	v3 =	vadd.s32 v1, v3;
	_ =	sdelay $0x2  }
0x8c: {  	[tilespmem:s9], [sflag:$0x1] =	stream.indirect_vreg.gather [hbm4b:s2+s3], $0x80, v4, vm0, $0xb8;
	[tilespmem:$0x14180] =	vst v63  }
0x8d: {  	_ = 	snop  }
0x8e: {  	[tilespmem:s10], [sflag:$0x1] =	stream.indirect_vreg.gather [hbm4b:s2+s3], $0x80, v3, vm0, $0xb8;
	[tilespmem:$0x14180] =	vst v63  }
0x8f: {  	v3 =	vld [tilespmem:$0xA0];
	_ =	sdelay $0x4  }
0x90: {  	v54 =	vshll.u32 v3, $0x1  }
0x91: {  	v3 =	vand.u32 $0x7, v3;
	v4 =	vand.u32 $0xFFFFFFF0, v54  }
0x92: {  	v3 =	vor.u32 v3, v4  }
0x93: {  	v4 =	vperm.xlane v3, v0;
	_ =	sdelay $0x1  }
0x94: {  	v3 =	vperm.xlane v3, v2;
	v4 =	vadd.s32 v1, v4;
	_ =	sdelay $0x1  }
0x95: {  	v3 =	vadd.s32 v1, v3;
	_ =	sdelay $0x2  }
0x96: {  	[tilespmem:s11], [sflag:$0x1] =	stream.indirect_vreg.gather [hbm4b:s2+s3], $0x80, v4, vm0, $0xb8;
	[tilespmem:$0x14180] =	vst v63  }
0x97: {  	_ = 	snop  }
0x98: {  	[tilespmem:s12], [sflag:$0x1] =	stream.indirect_vreg.gather [hbm4b:s2+s3], $0x80, v3, vm0, $0xb8;
	[tilespmem:$0x14180] =	vst v63  }
0x99: {  	v3 =	vld [tilespmem:$0xB0];
	_ =	sdelay $0x4  }
0x9a: {  	v55 =	vshll.u32 v3, $0x1  }
0x9b: {  	v3 =	vand.u32 $0x7, v3;
	v4 =	vand.u32 $0xFFFFFFF0, v55  }
0x9c: {  	v3 =	vor.u32 v3, v4  }
0x9d: {  	v4 =	vperm.xlane v3, v0;
	_ =	sdelay $0x1  }
0x9e: {  	v3 =	vperm.xlane v3, v2;
	v4 =	vadd.s32 v1, v4;
	_ =	sdelay $0x1  }
0x9f: {  	v3 =	vadd.s32 v1, v3;
	_ =	sdelay $0x2  }
0xa0: {  	[tilespmem:s13], [sflag:$0x1] =	stream.indirect_vreg.gather [hbm4b:s2+s3], $0x80, v4, vm0, $0xb8;
	[tilespmem:$0x14180] =	vst v63  }
0xa1: {  	_ = 	snop  }
0xa2: {  	[tilespmem:s14], [sflag:$0x1] =	stream.indirect_vreg.gather [hbm4b:s2+s3], $0x80, v3, vm0, $0xb8;
	[tilespmem:$0x14180] =	vst v63  }
0xa3: {  	v3 =	vld [tilespmem:$0xC0];
	_ =	sdelay $0x4  }
0xa4: {  	v56 =	vshll.u32 v3, $0x1  }
0xa5: {  	v3 =	vand.u32 $0x7, v3;
	v4 =	vand.u32 $0xFFFFFFF0, v56  }
0xa6: {  	v3 =	vor.u32 v3, v4  }
0xa7: {  	v4 =	vperm.xlane v3, v0;
	_ =	sdelay $0x1  }
0xa8: {  	v3 =	vperm.xlane v3, v2;
	v4 =	vadd.s32 v1, v4;
	_ =	sdelay $0x1  }
0xa9: {  	v3 =	vadd.s32 v1, v3;
	_ =	sdelay $0x2  }
0xaa: {  	[tilespmem:s15], [sflag:$0x1] =	stream.indirect_vreg.gather [hbm4b:s2+s3], $0x80, v4, vm0, $0xb8;
	[tilespmem:$0x14180] =	vst v63  }
0xab: {  	_ = 	snop  }
0xac: {  	[tilespmem:s16], [sflag:$0x1] =	stream.indirect_vreg.gather [hbm4b:s2+s3], $0x80, v3, vm0, $0xb8;
	[tilespmem:$0x14180] =	vst v63  }
0xad: {  	v3 =	vld [tilespmem:$0xD0];
	_ =	sdelay $0x4  }
0xae: {  	v57 =	vshll.u32 v3, $0x1  }
0xaf: {  	v3 =	vand.u32 $0x7, v3;
	v4 =	vand.u32 $0xFFFFFFF0, v57  }
0xb0: {  	v3 =	vor.u32 v3, v4  }
0xb1: {  	v4 =	vperm.xlane v3, v0;
	_ =	sdelay $0x1  }
0xb2: {  	v3 =	vperm.xlane v3, v2;
	v4 =	vadd.s32 v1, v4;
	_ =	sdelay $0x1  }
0xb3: {  	v3 =	vadd.s32 v1, v3;
	_ =	sdelay $0x2  }
0xb4: {  	[tilespmem:s17], [sflag:$0x1] =	stream.indirect_vreg.gather [hbm4b:s2+s3], $0x80, v4, vm0, $0xb8;
	[tilespmem:$0x14180] =	vst v63  }
0xb5: {  	_ = 	snop  }
0xb6: {  	[tilespmem:s18], [sflag:$0x1] =	stream.indirect_vreg.gather [hbm4b:s2+s3], $0x80, v3, vm0, $0xb8;
	[tilespmem:$0x14180] =	vst v63  }
0xb7: {  	v3 =	vld [tilespmem:$0xE0];
	_ =	sdelay $0x4  }
0xb8: {  	v58 =	vshll.u32 v3, $0x1  }
0xb9: {  	v3 =	vand.u32 $0x7, v3;
	v4 =	vand.u32 $0xFFFFFFF0, v58  }
0xba: {  	v3 =	vor.u32 v3, v4  }
0xbb: {  	v4 =	vperm.xlane v3, v0;
	_ =	sdelay $0x1  }
0xbc: {  	v3 =	vperm.xlane v3, v2;
	v4 =	vadd.s32 v1, v4;
	_ =	sdelay $0x1  }
0xbd: {  	v3 =	vadd.s32 v1, v3;
	_ =	sdelay $0x2  }
0xbe: {  	[tilespmem:s19], [sflag:$0x1] =	stream.indirect_vreg.gather [hbm4b:s2+s3], $0x80, v4, vm0, $0xb8;
	[tilespmem:$0x14180] =	vst v63  }
0xbf: {  	_ = 	snop  }
0xc0: {  	[tilespmem:s20], [sflag:$0x1] =	stream.indirect_vreg.gather [hbm4b:s2+s3], $0x80, v3, vm0, $0xb8;
	[tilespmem:$0x14180] =	vst v63  }
0xc1: {  	v3 =	vld [tilespmem:$0xF0];
	_ =	sdelay $0x4  }
0xc2: {  	v59 =	vshll.u32 v3, $0x1  }
0xc3: {  	v3 =	vand.u32 $0x7, v3;
	v4 =	vand.u32 $0xFFFFFFF0, v59  }
0xc4: {  	v3 =	vor.u32 v3, v4  }
0xc5: {  	v4 =	vperm.xlane v3, v0;
	_ =	sdelay $0x1  }
0xc6: {  	v3 =	vperm.xlane v3, v2;
	v4 =	vadd.s32 v1, v4;
	_ =	sdelay $0x1  }
0xc7: {  	v3 =	vadd.s32 v1, v3;
	_ =	sdelay $0x2  }
0xc8: {  	[tilespmem:s21], [sflag:$0x1] =	stream.indirect_vreg.gather [hbm4b:s2+s3], $0x80, v4, vm0, $0xb8;
	[tilespmem:$0x14180] =	vst v63  }
0xc9: {  	_ = 	snop  }
0xca: {  	[tilespmem:s22], [sflag:$0x1] =	stream.indirect_vreg.gather [hbm4b:s2+s3], $0x80, v3, vm0, $0xb8;
	[tilespmem:$0x14180] =	vst v63  }
0xcb: {  	v3 =	vld [tilespmem:$0x100];
	_ =	sdelay $0x4  }
0xcc: {  	v60 =	vshll.u32 v3, $0x1  }
0xcd: {  	v3 =	vand.u32 $0x7, v3;
	v4 =	vand.u32 $0xFFFFFFF0, v60  }
0xce: {  	v3 =	vor.u32 v3, v4  }
0xcf: {  	v4 =	vperm.xlane v3, v0;
	_ =	sdelay $0x1  }
0xd0: {  	v3 =	vperm.xlane v3, v2;
	v4 =	vadd.s32 v1, v4;
	_ =	sdelay $0x1  }
0xd1: {  	v3 =	vadd.s32 v1, v3;
	_ =	sdelay $0x2  }
0xd2: {  	[tilespmem:s23], [sflag:$0x1] =	stream.indirect_vreg.gather [hbm4b:s2+s3], $0x80, v4, vm0, $0xb8;
	[tilespmem:$0x14180] =	vst v63  }
0xd3: {  	_ = 	snop  }
0xd4: {  	[tilespmem:s24], [sflag:$0x1] =	stream.indirect_vreg.gather [hbm4b:s2+s3], $0x80, v3, vm0, $0xb8;
	[tilespmem:$0x14180] =	vst v63  }
0xd5: {  	v3 =	vld [tilespmem:$0x110];
	_ =	sdelay $0x4  }
0xd6: {  	v61 =	vshll.u32 v3, $0x1  }
0xd7: {  	v3 =	vand.u32 $0x7, v3;
	v4 =	vand.u32 $0xFFFFFFF0, v61  }
0xd8: {  	v3 =	vor.u32 v3, v4  }
0xd9: {  	v4 =	vperm.xlane v3, v0;
	_ =	sdelay $0x1  }
0xda: {  	v3 =	vperm.xlane v3, v2;
	v4 =	vadd.s32 v1, v4;
	_ =	sdelay $0x1  }
0xdb: {  	v3 =	vadd.s32 v1, v3;
	_ =	sdelay $0x2  }
0xdc: {  	[tilespmem:s25], [sflag:$0x1] =	stream.indirect_vreg.gather [hbm4b:s2+s3], $0x80, v4, vm0, $0xb8;
	[tilespmem:$0x14180] =	vst v63  }
0xdd: {  	_ = 	snop  }
0xde: {  	[tilespmem:s26], [sflag:$0x1] =	stream.indirect_vreg.gather [hbm4b:s2+s3], $0x80, v3, vm0, $0xb8;
	[tilespmem:$0x14180] =	vst v63  }
0xdf: {  	v3 =	vld [tilespmem:$0x120];
	_ =	sdelay $0x4  }
0xe0: {  	v62 =	vshll.u32 v3, $0x1  }
0xe1: {  	v3 =	vand.u32 $0x7, v3;
	v4 =	vand.u32 $0xFFFFFFF0, v62  }
0xe2: {  	v3 =	vor.u32 v3, v4  }
0xe3: {  	v4 =	vperm.xlane v3, v0;
	_ =	sdelay $0x1  }
0xe4: {  	v3 =	vperm.xlane v3, v2;
	v4 =	vadd.s32 v1, v4;
	_ =	sdelay $0x1  }
0xe5: {  	v3 =	vadd.s32 v1, v3;
	_ =	sdelay $0x2  }
0xe6: {  	[tilespmem:s28], [sflag:$0x1] =	stream.indirect_vreg.gather [hbm4b:s2+s3], $0x80, v4, vm0, $0xb8;
	[tilespmem:$0x14180] =	vst v63  }
0xe7: {  	_ = 	snop  }
0xe8: {  	[tilespmem:s29], [sflag:$0x1] =	stream.indirect_vreg.gather [hbm4b:s2+s3], $0x80, v3, vm0, $0xb8;
	[tilespmem:$0x14180] =	vst v63  }
0xe9: {  	v3 =	vld [tilespmem:$0x130];
	_ =	sdelay $0x4  }
0xea: {  	v63 =	vshll.u32 v3, $0x1  }
0xeb: {  	v3 =	vand.u32 $0x7, v3;
	v4 =	vand.u32 $0xFFFFFFF0, v63  }
0xec: {  	v3 =	vor.u32 v3, v4  }
0xed: {  	v4 =	vperm.xlane v3, v0;
	_ =	sdelay $0x1  }
0xee: {  	v3 =	vperm.xlane v3, v2;
	v4 =	vadd.s32 v1, v4;
	_ =	sdelay $0x1  }
0xef: {  	v3 =	vadd.s32 v1, v3;
	_ =	sdelay $0x2  }
0xf0: {  	[tilespmem:s30], [sflag:$0x1] =	stream.indirect_vreg.gather [hbm4b:s2+s3], $0x80, v4, vm0, $0xb8;
	[tilespmem:$0x14180] =	vst v63  }
0xf1: {  	_ = 	snop  }
0xf2: {  	[tilespmem:s31], [sflag:$0x1] =	stream.indirect_vreg.gather [hbm4b:s2+s3], $0x80, v3, vm0, $0xb8;
	[tilespmem:$0x14180] =	vst v63  }
0xf3: {  	_ =	swait.ge [sflag:s1], $0x5000  }
0xf4: {  	[sflag:s1] =	ssyncset.done $0x0  }
0xf5: {  	[sflag:s1] =	ssyncadd.s32 $0xFFFFB000  }
0xf6: {  	_ =	swait.ge [sflag:s1], $0x5000  }
0xf7: {  	[sflag:s1] =	ssyncset.done $0x0  }
0xf8: {  	[sflag:s1] =	ssyncadd.s32 $0xFFFFB000  }
0xf9: {  	_ =	swait.ge [sflag:s1], $0x5000  }
0xfa: {  	[sflag:s1] =	ssyncset.done $0x0  }
0xfb: {  	[sflag:s1] =	ssyncadd.s32 $0xFFFFB000  }
0xfc: {  	_ =	swait.ge [sflag:s1], $0x5000  }
0xfd: {  	p0 =	sne.s32 s4, $0x1;
	[sflag:s1] =	ssyncset.done $0x0  }
.Ltmp0:
0xfe: {  	s7 =	rddreg [dreg:$0x4];
	[sflag:s1] =	ssyncadd.s32 $0xFFFFB000;
	(pc) =	sbr.rel @p0 .LBB2_1-.Ltmp0, $4  }
0xff: {  	[hbm4b:s7+s3] =	stream.linear.scatter [tilespmem:s6], [sflag:$0x2], $0x14000, $0x38;
	[tilespmem:$0x14180] =	vst v63  }
0x100: {  	_ =	swait.ge [sflag:s5], $0x14000  }
0x101: {  	[sflag:s5] =	ssyncset.done $0x0  }
0x102: {  	s4 =	sadd.s32 $0xFFFFFFFF, s4;
	[sflag:s5] =	ssyncadd.s32 $0xFFFEC000  }
0x103: {  	_ =	sfence.sel $0x180000  }
0x104: {  	[bflag:$0x0] =	sbarrier.arrive $0xFFFF  }
0x105: {  	_ =	strace $0x90000047  }
0x106: {  	s0 =	stileid.u32;
	[bflag:$0x2] =	sbarrier.arrive $0xFFFF  }
0x107: {  	p0 =	sne.s32 s0, $0x0;
	s0 =	rddreg [dreg:$0x2]  }
0x108: {  	s0 =	sadd.s32 @!p0 $0x100000, s0  }
0x109: {  	[sflag:s0] =	ssyncadd.tile.s32 @!p0 $0x1;
	_ =	shalt  }
.Lfunc_end2:
_tile_overlayer_lowered:
.L_overlay_start_2:
0x10a: {  	(tag) =	ssettag $0x2  }
0x10b: {  	s0 =	rddreg [dreg:$0x0];
	s2 =	stileid.u32  }
0x10c: {  	s1 =	rddreg [dreg:$0x1];
	p0 =	sne.s32 s2, $0x0  }
0x10d: {  	s3 =	rddreg [dreg:$0x2];
	[bflag:$0x3] =	sbarrier.arrive $0xFFFF;
	s2 =	simm.s32 @!p0 $0x1C02  }
0x10e: {  	[timem:s3], [sflag:s2] =	dma.local @!p0 [hbm:s0], s1  }
0x10f: {  	s0 =	simm.s32 @!p0 $0x2  }
0x110: {  	_ =	swait.ge @!p0 [sflag:s0], s1  }
0x111: {  	s1 =	ssub.s32 @!p0 $0x0, s1;
	[sflag:s0] =	ssyncset.done @!p0 $0x0  }
0x112: {  	[sflag:s0] =	ssyncadd.s32 @!p0 s1  }
0x113: {  	[bflag:$0x3] =	sbarrier.arrive $0xFFFF  }
0x114: {  	_ =	shalt  }

// kernel: scatter_offload_async_start.1
scs
__scs_entry_jumppad:
0x0: {  	(pc) =	sbr.rel $0x88, $3  }
0x1: {  	(tag) =	ssettag $0x0;
	lr =	simm.s32 $0x1  }
0x2: {  	[smem:$0x3F8C] =	sst lr;
	_ =	strace $0xD0000000  }
0x3: {  	_ = 	snop  }
0x4: {  	_ = 	snop  }
0x5: {  	_ = 	snop  }
0x6: {  	_ = 	snop  }
0x7: {  	_ = 	snop  }
__scs_overlays_trampoline_lowered:
0x8: {  	[smem:$0x3F9B] =	sst s0  }
0x9: {  	[smem:$0x3F9C] =	sst s1  }
0xa: {  	[smem:$0x3F9D] =	sst s2  }
0xb: {  	[smem:$0x3F9E] =	sst s3  }
0xc: {  	[smem:$0x3F9F] =	sst s4  }
0xd: {  	[smem:$0x3FA0] =	sst s5  }
0xe: {  	[smem:$0x3FA1] =	sst s6  }
0xf: {  	[smem:$0x3FA2] =	sst s7  }
0x10: {  	[smem:$0x3FA3] =	sst s8  }
0x11: {  	[smem:$0x3FA4] =	sst s9;
	s0 =	simm.s32 @!p0 $0x0  }
0x12: {  	s1 =	sld [smem:$0x3F8A];
	s0 =	simm.s32 @p0 $0x1  }
0x13: {  	[smem:$0x3FA5] =	sst s0;
	s0 =	simm.s32 @!p1 $0x0  }
0x14: {  	s2 =	sld [smem:$0x3F89];
	s0 =	simm.s32 @p1 $0x1  }
0x15: {  	[smem:$0x3FA6] =	sst s0;
	s0 =	simm.s32 @!p2 $0x0  }
0x16: {  	s3 =	sld [smem:$0x3FDB];
	s0 =	simm.s32 @p2 $0x1  }
0x17: {  	s4 =	simm.s32 $0x1BF5;
	[smem:$0x3FA8] =	sst s0  }
0x18: {  	s0 =	sld [smem:$0x3F8B];
	_ =	swait.ge [sflag:s4], $0x0  }
0x19: {  	s7 =	sld [smem:$0x3F8C]  }
0x1a: {  	s8 =	sadd.s32 $0xFFFFE003, lr  }
0x1b: {  	s9 =	sadd.s32 $0xFFFFFEF7, lr;
	s5 =	simm.s32 $0xFFFFFFFF;
	p2 =	slt.u32 s8, $0xFFFFF086  }
0x1c: {  	p1 =	slt.u32 s9, $0xF7A;
	s5 =	simm.s32 @!p2 $0x0  }
0x1d: {  	s5 =	simm.s32 @p1 $0x1;
	p0 =	seq.s32 s7, s2  }
0x1e: {  	s7 =	smul.u32 @!p0 $0xF7A, s2;
	p2 =	seq.s32 @!p0 s5, $0x0  }
0x1f: {  	s9 =	smul.u32 $0xF7A, s1;
	s8 =	simm.s32 @!p0 $0x1BF5;
	p2 =	por !p2, p0  }
0x20: {  	[sflag:s8] =	ssyncset.s32 @!p0 $0xFFFFF086;
	s6 =	sadd.s32 @!p0 s3, s7;
	s7 =	simm.s32 @!p0 $0x108  }
0x21: {  	s3 =	sadd.s32 s3, s9;
	s6 =	sadd.s32 @!p0 $0x88, s6;
	s7 =	simm.s32 @p2 $0x1082  }
0x22: {  	[simem:s7], [sflag:s8] =	dma.local @!p0 [hbm:s6], $0xF7A  }
0x23: {  	s9 =	sor.u32 $0xD0000000, s2;
	s6 =	simm.s32 $0x108;
	_ =	swait.ge @!p0 [sflag:s8], $0x0  }
0x24: {  	s3 =	sadd.s32 $0x88, s3;
	s6 =	simm.s32 @!p1 $0x1082;
	[sflag:s4] =	ssyncset.s32 $0xFFFFF086  }
0x25: {  	[simem:s6], [sflag:s4] =	dma.local [hbm:s3], $0xF7A  }
0x26: {  	[smem:$0x3F8C] =	sst s1;
	(tag) =	ssettag s2;
	_ =	strace s9  }
0x27: {  	s1 =	sld [smem:$0x3F9C]  }
0x28: {  	s2 =	sld [smem:$0x3F9D]  }
0x29: {  	s4 =	sld [smem:$0x3F9F]  }
0x2a: {  	p0 =	seq.s32 s5, $0x0;
	s5 =	sld [smem:$0x3FA0]  }
0x2b: {  	s6 =	sld [smem:$0x3FA1]  }
0x2c: {  	s7 =	sld [smem:$0x3FA2]  }
0x2d: {  	s3 =	simm.s32 $0x108;
	s8 =	sld [smem:$0x3FA3]  }
0x2e: {  	s3 =	simm.s32 @!p0 $0x1082;
	s9 =	sld [smem:$0x3FA4]  }
0x2f: {  	lr =	sadd.s32 s0, s3;
	s0 =	sld [smem:$0x3F9B]  }
0x30: {  	s3 =	sld [smem:$0x3F9E]  }
0x31: {  	[smem:$0x3FA7] =	sst s10  }
0x32: {  	s10 =	sld [smem:$0x3FA5];
	_ =	sdelay $0x3  }
0x33: {  	p0 =	seq.s32 s10, $0x1;
	s10 =	sld [smem:$0x3FA7];
	_ =	sdelay $0x3  }
0x34: {  	[smem:$0x3FA7] =	sst s10  }
0x35: {  	s10 =	sld [smem:$0x3FA6];
	_ =	sdelay $0x3  }
0x36: {  	p1 =	seq.s32 s10, $0x1;
	s10 =	sld [smem:$0x3FA7];
	_ =	sdelay $0x3  }
0x37: {  	[smem:$0x3FA7] =	sst s10  }
0x38: {  	s10 =	sld [smem:$0x3FA8]  }
0x39: {  	_ = 	snop;
	(pc) =	sbr.ind lr, $3  }
0x3a: {  	_ = 	snop  }
0x3b: {  	_ = 	snop  }
0x3c: {  	p2 =	seq.s32 s10, $0x1;
	s10 =	sld [smem:$0x3FA7]  }
0x3d: {  	_ =	shalt  }
0x3e: {  	_ =	shalt  }
0x3f: {  	_ =	shalt  }
0x40: {  	_ =	shalt  }
0x41: {  	_ =	shalt  }
0x42: {  	_ =	shalt  }
0x43: {  	_ =	shalt  }
0x44: {  	_ =	shalt  }
0x45: {  	_ =	shalt  }
0x46: {  	_ =	shalt  }
0x47: {  	_ =	shalt  }
0x48: {  	_ =	shalt  }
0x49: {  	_ =	shalt  }
0x4a: {  	_ =	shalt  }
0x4b: {  	_ =	shalt  }
0x4c: {  	_ =	shalt  }
0x4d: {  	_ =	shalt  }
0x4e: {  	_ =	shalt  }
0x4f: {  	_ =	shalt  }
0x50: {  	_ =	shalt  }
0x51: {  	_ =	shalt  }
0x52: {  	_ =	shalt  }
0x53: {  	_ =	shalt  }
0x54: {  	_ =	shalt  }
0x55: {  	_ =	shalt  }
0x56: {  	_ =	shalt  }
0x57: {  	_ =	shalt  }
0x58: {  	_ =	shalt  }
0x59: {  	_ =	shalt  }
0x5a: {  	_ =	shalt  }
0x5b: {  	_ =	shalt  }
0x5c: {  	_ =	shalt  }
0x5d: {  	_ =	shalt  }
0x5e: {  	_ =	shalt  }
0x5f: {  	_ =	shalt  }
0x60: {  	_ =	shalt  }
0x61: {  	_ =	shalt  }
0x62: {  	_ =	shalt  }
0x63: {  	_ =	shalt  }
0x64: {  	_ =	shalt  }
0x65: {  	_ =	shalt  }
0x66: {  	_ =	shalt  }
0x67: {  	_ =	shalt  }
0x68: {  	_ =	shalt  }
0x69: {  	_ =	shalt  }
0x6a: {  	_ =	shalt  }
0x6b: {  	_ =	shalt  }
0x6c: {  	_ =	shalt  }
0x6d: {  	_ =	shalt  }
0x6e: {  	_ =	shalt  }
0x6f: {  	_ =	shalt  }
0x70: {  	_ =	shalt  }
0x71: {  	_ =	shalt  }
0x72: {  	_ =	shalt  }
0x73: {  	_ =	shalt  }
0x74: {  	_ =	shalt  }
0x75: {  	_ =	shalt  }
0x76: {  	_ =	shalt  }
0x77: {  	_ =	shalt  }
0x78: {  	_ =	shalt  }
0x79: {  	_ =	shalt  }
0x7a: {  	_ =	shalt  }
0x7b: {  	_ =	shalt  }
0x7c: {  	_ =	shalt  }
0x7d: {  	_ =	shalt  }
0x7e: {  	_ =	shalt  }
0x7f: {  	_ =	shalt  }
0x80: {  	_ =	shalt  }
0x81: {  	_ =	shalt  }
0x82: {  	_ =	shalt  }
0x83: {  	_ =	shalt  }
0x84: {  	_ =	shalt  }
0x85: {  	_ =	shalt  }
0x86: {  	_ =	shalt  }
0x87: {  	_ =	shalt  }
.Lfunc_end0:
.L_simem_size_0:
called_computation.1_lowered:
.L_overlay_start_0:
0x88: {  	s0 =	sld [smem:$0x3FD9]  }
0x89: {  	s1 =	sld [smem:$0x3FFE];
	_ =	sdelay $0x3  }
0x8a: {  	s0 =	sadd.s32 s1, s0  }
0x8b: {  	[smem:$0x3FB3] =	sst s0  }
0x8c: {  	_ = 	snop  }
0x8d: {  	(tm) =	ssettm $0x1  }
0x8e: {  	s15 =	sld [smem:$0x3FFB];
	_ =	sdelay $0x3  }
0x8f: {  	_ =	strace s15  }
0x90: {  	s0 =	sld [smem:$0x3FFC];
	_ =	sdelay $0x3  }
0x91: {  	_ =	strace s0  }
0x92: {  	s0 =	sld [smem:$0x3FFD];
	_ =	sdelay $0x3  }
0x93: {  	_ =	strace s0  }
0x94: {  	_ =	strace $0x8FFFFFFF  }
0x95: {  	s16 =	sld [smem:$0x3FDB];
	_ =	sdelay $0x1  }
0x96: {  	s17 =	simm.s32 $_scs_section_size  }
0x97: {  	s2 =	simm.s32 $_size__tile_overlayer_lowered;
	s3 =	simm.s32 $_tile_overlayer_lowered  }
0x98: {  	s20 =	simm.s32 $0x1BFF;
	s19 =	sshll.u32 s3, $0x1;
	s0 =	sadd.s32 s17, s16  }
0x99: {  	s4 =	simm.s32 $0x0;
	s18 =	sshll.u32 s2, $0x1;
	s2 =	sadd.s32 s19, s0  }
0x9a: {  	[timem:s4], [sflag:s20] =	dma.local [hbm:s2], s18  }
0x9b: {  	_ =	swait.ge [sflag:s20], s18  }
0x9c: {  	s1 =	ssub.s32 $0x0, s18;
	[sflag:s20] =	ssyncset.done $0x0  }
0x9d: {  	[sflag:s20] =	ssyncadd.s32 s1;
	_ =	sdelay $0x1  }
0x9e: {  	s21 =	simm.s32 $0x1B8B  }
0x9f: {  	_ =	swait.ge [sflag:s21], $0x1  }
0xa0: {  	[sflag:s21] =	ssyncset.done $0x0  }
0xa1: {  	s23 =	simm.s32 $0x1B8E;
	s22 =	sld [smem:$0x3FFE];
	[sflag:s21] =	ssyncadd.s32 $0xFFFFFFFF  }
0xa2: {  	s24 =	simm.s32 $execute0_lowered;
	[smem:$0x3FD2] =	sst s23  }
0xa3: {  	s2 =	sshll.u32 s24, $0x1;
	_ =	strace $0x80000049;
	[dreg:$0x1] =	wrdreg $0xFFFFFFFF  }
0xa4: {  	s25 =	simm.s32 $_size_execute0_lowered;
	s0 =	sadd.s32 s0, s2;
	[dreg:$0x0] =	wrdreg $0x0  }
0xa5: {  	s2 =	sshll.u32 s25, $0x1;
	[dreg:$0x2] =	wrdreg s0  }
0xa6: {  	[dreg:$0x3] =	wrdreg s2  }
0xa7: {  	[dreg:$0x4] =	wrdreg $0xC0  }
0xa8: {  	_ =	task [dreg:s4], $0x5FFFF  }
0xa9: {  	[dreg:$0x1] =	wrdreg $0xFFFFFFFF  }
0xaa: {  	[dreg:$0x0] =	wrdreg $0x60  }
0xab: {  	[dreg:$0x2] =	wrdreg s22  }
0xac: {  	[dreg:$0x3] =	wrdreg $0xA  }
0xad: {  	_ =	task.clear_ibuf [dreg:s4], $0x4FFFF;
	_ =	strace $0x90000049  }
0xae: {  	s26 =	simm.s32 $0xA;
	_ =	strace $0x8000004B  }
0xaf: {  	_ =	swait.ge [sflag:s26], $0x1  }
0xb0: {  	[sflag:s26] =	ssyncadd.s32 $0xFFFFFFFF  }
0xb1: {  	_ =	strace $0x9000004B  }
0xb2: {  	_ =	sfence  }
0xb3: {  	s28 =	sld [smem:$0x0];
	_ =	sdelay $0x1  }
0xb4: {  	s29 =	srdreg.scid  }
0xb5: {  	s30 =	sshll.u32 s29, $0xD;
	s31 =	sshrl.u32 s29, $0x2  }
0xb6: {  	s1 =	sand.u32 $0x1, s29;
	s2 =	sand.u32 $0x4000, s30;
	s0 =	sadd.s32 s31, s28  }
0xb7: {  	s1 =	sor.u32 s2, s1;
	s0 =	sshll.u32 s0, $0x11  }
0xb8: {  	s0 =	sor.u32 s0, s1  }
0xb9: {  	s0 =	sadd.s32 $0x8F2B, s0  }
0xba: {  	[sflag:s0] =	ssyncadd.remote.s32 $0x1  }
0xbb: {  	_ =	sfence.sel $0xFFFF  }
0xbc: {  	[dreg:$0x0] =	wrdreg $0xFFFFFFFF;
	(pc) =	sbr.abs _section_cstart, $3  }
0xbd: {  	[dreg:$0x1] =	wrdreg $0xFFFFFFFF  }
0xbe: {  	_ =	task.clear_ibuf [dreg:s4], $0x2FFFF;
	_ =	strace $0x9FFFFFFF  }
0xbf: {  	(tm) =	ssettm $0x7FFFFFFF  }
tec
execute0_lowered:
.L_overlay_start_1:
0x0: {  	(tag) =	ssettag $0x1  }
0x1: {  	s0 =	rddreg [dreg:$0x0]  }
0x2: {  	s14 =	stileid.u32;
	_ =	strace $0x8000004A;
	s2 =	simm.s32 $0x1  }
0x3: {  	v1 =	vimm.s32 $0xFFFFFFFF;
	s1 =	smin.u32 s14, $0x4;
	[sflag:s2] =	ssyncpa.u1 $0x0  }
0x4: {  	s1 =	sadd.s32 s14, s1;
	[tilespmem:$0x10] =	vst v1  }
0x5: {  	v0 =	vimm.f32 $0.0e+00;
	p0 =	slt.u32 s14, $0x4;
	[tilespmem:$0x20] =	vst v1;
	s3 =	smul.u32 $0x1F40, s1;
	s1 =	simm.s32 $0x3E80  }
0x6: {  	[tilespmem:$0x30] =	vst v0;
	s1 =	simm.s32 @!p0 $0x1F40  }
0x7: {  	[tilespmem:$0x40] =	vst v0;
	s1 =	sadd.s32 s1, s3  }
0x8: {  	[tilespmem:$0x50] =	vst v0;
	s4 =	smin.u32 s1, $0x27100  }
0x9: {  	[tilespmem:$0x60] =	vst v1;
	s9 =	ssub.s32 s4, s3  }
0xa: {  	s7 =	simm.s32 $0x2;
	s8 =	simm.s32 $0x8;
	[tilespmem:$0x70] =	vst v1;
	p0 =	sgt.s32 s9, $0x0  }
0xb: {  	s31 =	simm.s32 $0x9;
	s16 =	simm.s32 $0x0;
	[tilespmem:$0x80] =	vst v1;
	s9 =	simm.s32 @!p0 $0x0  }
0xc: {  	s17 =	simm.s32 $0xF0;
	s18 =	simm.s32 $0xFFFFFFFF;
	v1 =	vimm.s32 $0x0;
	[tilespmem:$0xB0] =	vst v0;
	s5 =	smulhi.u32 $0x10624DD3, s9  }
0xd: {  	s19 =	simm.s32 $0xFFFFC280;
	s20 =	simm.s32 $0xFFFFFFFE;
	s21 =	simm.s32 $0xF;
	[tilespmem:$0x90] =	vst v1  }
0xe: {  	[tilespmem:$0xA0] =	vst v1;
	[sflag:s7] =	ssyncpa.u1 $0x0;
	s7 =	simm.s32 $0x7;
	s10 =	sshrl.u32 s5, $0x9  }
0xf: {  	s25 =	simm.s32 $0x0;
	[sflag:s7] =	ssyncpa.u1 $0x0;
	s11 =	smul.u32 $0x1F40, s10  }
0x10: {  	s24 =	simm.s32 $0x0;
	s6 =	sadd.s32 $0x60600, s0;
	[sflag:s8] =	ssyncpa.u1 $0x0  }
.Ltmp0:
0x11: {  	s23 =	smov.u32 s3;
	p0 =	sne.s32 s9, s11;
	(pc) =	sbr.rel .LBB2_1-.Ltmp0, $4  }
0x12: {  	s1 =	sadd.s32 $0x1000, s0;
	[sflag:s31] =	ssyncpa.u1 $0x0;
	s2 =	simm.s32 @!p0 $0x0  }
0x13: {  	s5 =	sadd.s32 $0x5B600, s0;
	p0 =	por $0x0, $0x0;
	s9 =	sadd.s32 s2, s10  }
0x14: {  	vm0 =	vmmov $0xffff;
	v2 =	vlaneseq.u32;
	s10 =	sshll.u32 s14, $0x1;
	s14 =	sshllo.u32 s14, $0x1;
	s11 =	sadd.s32 $0x1, s9  }
0x15: {  	vm1 =	vmxor vm1, vm1;
	vm2 =	vmmov $0x1;
	vm3 =	vcmask $0x3F3C;
	s12 =	sadd.s32 $0x2, s9;
	s13 =	sor.u32 $0x81, s10;
	s15 =	sor.u32 $0x80, s10  }
.LBB2_9:
0x16: {  	p1 =	slt.u32 s24, $0x3  }
0x17: {  	s0 =	simm.s32 @!p1 $0x2  }
0x18: {  	_ =	swait.ge @!p1 [sflag:s0], $0x1F40  }
0x19: {  	[sflag:s0] =	ssyncset.done @!p1 $0x0  }
0x1a: {  	[sflag:s0] =	ssyncadd.s32 @!p1 $0xFFFFE0C0;
	s0 =	simm.s32 @!p1 $0x9  }
0x1b: {  	_ =	swait.ge @!p1 [sflag:s0], $0x10  }
0x1c: {  	[sflag:s0] =	ssyncset.done @!p1 $0x0  }
0x1d: {  	[sflag:s0] =	ssyncadd.s32 @!p1 $0xFFFFFFF0;
	p1 =	sne.s32 s24, s12  }
.Ltmp1:
0x1e: {  	s2 =	sadd.s32 $0x1F40, s23;
	(pc) =	sbr.rel @!p1 .LBB2_10-.Ltmp1, $4  }
0x1f: {  	s22 =	smov.u32 s3;
	s31 =	sadd.s32 $0x1, s24;
	s17 =	sadd.s32 $0x1F40, s17  }
0x20: {  	s18 =	sadd.s32 $0x1, s18;
	s25 =	smov.u32 s23;
	p2 =	slt.s32 s2, s4  }
0x21: {  	p0 =	por !p0, !p0;
	s19 =	sadd.s32 $0x1F40, s19;
	s22 =	smov.u32 @p2 s2  }
0x22: {  	s20 =	sadd.s32 $0x1, s20;
	s23 =	smov.u32 s22;
	s24 =	smov.u32 s31  }
.LBB2_1:
0x23: {  	p1 =	sge.u32 s24, s9  }
0x24: {  	s0 =	smulhi.u32 @!p1 $0xAAAAAAAB, s24;
	_ =	sdelay $0x1  }
0x25: {  	s0 =	sshrl.u32 @!p1 s0, $0x1  }
0x26: {  	s0 =	smul.u32 @!p1 $0x3, s0;
	_ =	sdelay $0x1  }
0x27: {  	s0 =	ssub.s32 @!p1 s24, s0  }
0x28: {  	s0 =	smul.u32 @!p1 $0x7D00, s0;
	_ =	sdelay $0x1  }
0x29: {  	s2 =	sshrl.u32 @!p1 s23, $0x3;
	s0 =	sshrl.u32 @!p1 s0, $0x2  }
0x2a: {  	s22 =	sand.u32 @!p1 $0x7, s23;
	s2 =	sadd.s32 @!p1 s5, s2;
	s0 =	sadd.s32 @!p1 $0x100, s0  }
0x2b: {  	[tilespmem:s0], [sflag:$0x7] =	stream.linear.gather @!p1 [hbm4b:s2+s22], $0x1F40, $0x38;
	[tilespmem:$0x11A60] =	vst v63  }
0x2c: {  	s0 =	sadd.s32 $0xFFFFFFFF, s24  }
0x2d: {  	p1 =	sge.u32 s0, s9  }
.Ltmp2:
0x2e: {  	_ = 	snop;
	(pc) =	sbr.rel @p1 .LBB2_5-.Ltmp2, $1  }
0x2f: {  	_ =	sdelay $0x3  }
0x30: {  	s2 =	smulhi.u32 $0xAAAAAAAB, s0;
	_ =	sdelay $0x1  }
0x31: {  	s2 =	sshrl.u32 s2, $0x1  }
0x32: {  	s2 =	smul.u32 $0x3, s2;
	_ =	sdelay $0x1  }
0x33: {  	s2 =	ssub.s32 s0, s2  }
0x34: {  	s2 =	smul.u32 $0x7D00, s2  }
0x35: {  	_ =	swait.ge [sflag:s7], $0x1F40  }
0x36: {  	[sflag:s7] =	ssyncset.done $0x0;
	s2 =	sshrl.u32 s2, $0x2  }
0x37: {  	[sflag:s7] =	ssyncadd.s32 $0xFFFFE0C0;
	(ifvalue) =	ssetifvalue $0xFFFFFFFF;
	v3 =	vld.msk [tilespmem:s2+$0x100 ss:$0x1], $0xffff;
	_ =	sdelay $0x2  }
0x38: {  	s30 =	smulhi.u32 $0xAAAAAAAB, s18;
	p1 =	sne.s32 s24, $0x1  }
0x39: {  	v4 =	vimm.s32 @!p1 $0x0  }
0x3a: {  	s2 =	sshrl.u32 s30, $0x1;
	v4 =	vperm.xlane @!p1 v3, v4  }
0x3b: {  	s22 =	sshll.u32 s24, $0x4;
	s2 =	smul.u32 $0xFFFE8900, s2;
	vm4 =	vlt.u32 v3, $0x2800  }
0x3c: {  	s22 =	sand.u32 $0x10, s22;
	v3 =	vnsel vm4, $0xFFFFFFFE, v3;
	vm4 =	vlt.u32 @!p1 v4, $0x2800  }
0x3d: {  	s2 =	sshra.s32 s2, $0x2;
	[tilespmem:s22+$0x60] =	vst v3;
	v3 =	vnsel @!p1 vm4, $0xFFFFFFFE, v4  }
0x3e: {  	s28 =	sadd.s32 s2, s17;
	[tilespmem:$0x80] =	vst @!p1 v3  }
0x3f: {  	v3 =	vld.msk [tilespmem:s28+$0x0 ss:$0x1], $0xffff;
	_ =	sdelay $0x4  }
0x40: {  	(xrf1) =	vunique.msk.u32 $0xffff, v3;
	_ =	sdelay $0xd  }
0x41: {  	v4 =	vimm.s32 $0xFFFFFFFF;
	v5, _, _ =	vpop (xrf1)  }
0x42: {  	vm5 =	vne.s32 v3, v4;
	vm4 =	veq.s32 v5, v2  }
0x43: {  	vm6 =	vlt.u32 v3, $0x2800;
	vm4 =	vmand vm5, vm4  }
0x44: {  	vm4 =	vmand vm6, vm4  }
0x45: {  	v4 =	vnsel vm4, $0xFFFFFFFF, v3  }
0x46: {  	s31 =	sand.u32 $0x1, s0  }
0x47: {  	s0 =	simm.s32 $0x1F40;
	p1 =	seq.s32 s31, $0x1  }
0x48: {  	s0 =	simm.s32 @!p1 $0x0  }
0x49: {  	s26 =	sadd.s32 $0x7DF0, s0;
	(ifvalue) =	ssetifvalue $0xFFFFFFFF  }
0x4a: {  	v3 =	vperm.xlane v3, v1;
	[tilespmem:s26], [sflag:$0x8] =	stream.indirect_vreg.gather [hbm4b:s1+s16], $0x1, v4, vm0, $0x4038;
	v4 =	vnsel vm6, $0xFFFFFFFE, v4;
	[tilespmem:$0x11A60] =	vst v63  }
0x4b: {  	s2 =	simm.s32 $0x0;
	s22 =	sadd.s32 $0xFFFFFFF0, s28;
	[tilespmem:s28+$0x0] =	vst v4  }
.LBB2_3:
0x4c: {  	v4 =	vld.msk [tilespmem:s22+$0x0 ss:$0x1], $0xffff;
	s2 =	sadd.s32 $0x10, s2;
	v5 =	vmov v3;
	s28 =	smov.u32 s22  }
0x4d: {  	p1 =	slt.u32 s2, $0x1F30;
	_ =	sdelay $0x4  }
0x4e: {  	v3 =	vperm.xlane v4, v1;
	(xrf1) =	vunique.msk.u32 $0xffff, v4;
	_ =	sdelay $0xd  }
0x4f: {  	v6, _, _ =	vpop (xrf1)  }
0x50: {  	vm5 =	vne.s32 v4, v5;
	vm4 =	veq.s32 v6, v2  }
0x51: {  	vm6 =	vlt.u32 v4, $0x2800;
	vm4 =	vmand vm5, vm4  }
0x52: {  	vm4 =	vmand vm6, vm4  }
0x53: {  	v4 =	vnsel vm4, $0xFFFFFFFF, v4  }
.Ltmp3:
0x54: {  	v5 =	vnsel vm6, $0xFFFFFFFE, v4;
	(pc) =	sbr.rel @p1 .LBB2_3-.Ltmp3, $3  }
0x55: {  	_ =	sdelay $0x1  }
0x56: {  	s22 =	sadd.s32 $0xFFFFFFF0, s22;
	s26 =	sadd.s32 $0xFFFFFFF0, s26;
	(ifvalue) =	ssetifvalue $0xFFFFFFFF  }
0x57: {  	[tilespmem:s26], [sflag:$0x8] =	stream.indirect_vreg.gather [hbm4b:s1+s16], $0x1, v4, vm0, $0x4038;
	[tilespmem:s28+$0x0] =	vst v5  }
0x58: {  	s2 =	sshrl.u32 s25, $0x3  }
0x59: {  	s0 =	sadd.s32 $0x9D40, s0;
	s2 =	sadd.s32 s6, s2  }
0x5a: {  	[tilespmem:s0], [sflag:$0x8] =	stream.linear.gather [hbm:s2], $0x1F40, $0x38;
	[tilespmem:$0x11A60] =	vst v63  }
.LBB2_5:
0x5b: {  	p1 =	slt.u32 s24, $0x2  }
0x5c: {  	p2 =	sge.u32 @!p1 s24, s12  }
0x5d: {  	p1 =	por p1, p2  }
.Ltmp4:
0x5e: {  	_ = 	snop;
	(pc) =	sbr.rel @p1 .LBB2_9-.Ltmp4, $1  }
0x5f: {  	_ =	sdelay $0x3  }
0x60: {  	s0 =	sadd.s32 $0xFFFFFFFE, s24  }
0x61: {  	s2 =	smulhi.u32 $0xAAAAAAAB, s0;
	_ =	sdelay $0x1  }
0x62: {  	s2 =	sshrl.u32 s2, $0x1  }
0x63: {  	s2 =	smul.u32 $0x3, s2;
	_ =	sdelay $0x1  }
0x64: {  	s0 =	ssub.s32 s0, s2  }
0x65: {  	_ =	swait.ge [sflag:s8], $0x3E80;
	s0 =	smul.u32 $0x1F40, s0  }
0x66: {  	p1 =	sne.s32 s24, s11;
	[sflag:s8] =	ssyncset.done $0x0  }
0x67: {  	[sflag:s8] =	ssyncadd.s32 $0xFFFFC180;
	s2 =	sadd.s32 @!p1 $0x203F, s0  }
0x68: {  	[spmem:s13] =	stream.linear.scatter @!p1 [tilespmem:s2], [sflag:$0x1], $0x1, $0x38;
	[tilespmem:$0x11A60] =	vst v63  }
0x69: {  	s2 =	simm.s32 @!p1 $0x1  }
0x6a: {  	_ =	swait.ge @!p1 [sflag:s2], $0x1  }
0x6b: {  	s22 =	sshll.u32 s24, $0x4;
	[sflag:s2] =	ssyncset.done @!p1 $0x0  }
0x6c: {  	s25 =	sand.u32 $0x10, s22;
	[sflag:s2] =	ssyncadd.s32 @!p1 $0xFFFFFFFF  }
0x6d: {  	s2 =	sxor.u32 $0x10, s25;
	v4 =	vld [tilespmem:s25+$0x10]  }
0x6e: {  	v5 =	vld [tilespmem:s2+$0x60]  }
0x6f: {  	v3 =	vld [tilespmem:$0x80];
	_ =	sdelay $0x2  }
0x70: {  	(v2sf) =	vpush v4, $0x0  }
0x71: {  	(v2sf) =	vpush v5, $0x0  }
0x72: {  	(v2sf) =	vpush v3, $0x0;
	_ =	sdelay $0xc  }
0x73: {  	s22 =	spop (v2sf)  }
0x74: {  	s26 =	spop (v2sf)  }
0x75: {  	s28 =	spop (v2sf)  }
0x76: {  	p2 =	seq.s32 s22, s26;
	p3 =	seq.s32 s28, s22  }
0x77: {  	p3 =	por p2, p3  }
0x78: {  	s26 =	sand.u32 $0x1, s24;
	v4 =	vpsel p3, $0xFFFFFFFF, v4  }
0x79: {  	s29 =	smul.u32 $0x1F40, s26;
	[tilespmem:s25+$0x10] =	vst.msk $0x1, v4  }
0x7a: {  	v4 =	vld [tilespmem:$0x30]  }
0x7b: {  	v5 =	vld [tilespmem:s29+$0x9D40]  }
0x7c: {  	v6 =	vld [tilespmem:s25+$0x40];
	_ =	sdelay $0x3  }
0x7d: {  	vm4 =	vmmov vm1;
	v5 =	vadd.f32 v5, v4  }
0x7e: {  	vm5 =	vmmov vm2;
	vm4 =	vmmov @p2 vm2;
	s22 =	sshll.u32 s26, $0x4;
	v4 =	vadd.f32 v6, v4  }
0x7f: {  	s26 =	sor.u32 $0x11A40, s22;
	vm5 =	vmmov @p3 vm1;
	[tilespmem:s29+$0x9D40] =	vst.msk vm4, v5  }
0x80: {  	[tilespmem:s26+$0x0] =	vst.msk vm5, v4  }
0x81: {  	v4 =	vld [tilespmem:s29+$0x7DF0];
	_ =	sdelay $0x3  }
0x82: {  	v5 =	vimm.f32 $0.0e+00  }
0x83: {  	v4 =	vshift.insert v4, v5, s21  }
0x84: {  	s22 =	sor.u32 $0x40, s2  }
0x85: {  	[tilespmem:s22+$0x0] =	vst.msk $0x1, v4  }
0x86: {  	[tilespmem:s29+$0x7DFF] =	vst.msk $0x1, v5  }
0x87: {  	v4 =	vld [tilespmem:s0+$0x2030];
	_ =	sdelay $0x1  }
0x88: {  	s22 =	smulhi.u32 $0xAAAAAAAB, s20;
	s0 =	simm.s32 $0x1  }
0x89: {  	s0 =	simm.s32 @!p0 $0x0  }
0x8a: {  	s22 =	sshrl.u32 s22, $0x1;
	s0 =	smul.u32 $0x7D00, s0  }
0x8b: {  	s22 =	smul.u32 $0xFFFE8900, s22;
	v4 =	vshift.insert v4, v1, s21  }
0x8c: {  	s0 =	sshrl.u32 s0, $0x2  }
0x8d: {  	s22 =	sshra.s32 s22, $0x2;
	s30 =	sadd.s32 $0x9D40, s0;
	[tilespmem:s2+$0x10] =	vst.msk $0x1, v4  }
0x8e: {  	s22 =	sadd.s32 s22, s19;
	v6 =	vld [tilespmem:s30+$0x0]  }
0x8f: {  	v7 =	vld [tilespmem:s22+$0x0];
	_ =	sdelay $0x3  }
0x90: {  	v5 =	vadd.f32 v6, v5  }
0x91: {  	vm4 =	vne.s32 v7, $0xFFFFFFFF  }
0x92: {  	(xrf2) =	vadd.seg.scan.f32 vm4, v5;
	_ =	sdelay $0x3  }
0x93: {  	s31 =	sadd.s32 $0x5EC0, s0;
	v5 =	vperm.xlane v4, v1  }
0x94: {  	v6 =	vld [tilespmem:s31+$0x0]  }
0x95: {  	vm5 =	veq.s32 v7, v3;
	vm6 =	veq.s32 v7, v5  }
0x96: {  	vm7 =	vgt.u32 v7, $0xFFFFFFFD;
	vm6 =	vmor vm6, vm5  }
0x97: {  	vm6 =	vmor vm6, vm7  }
0x98: {  	v9 =	vld [tilespmem:$0xA0];
	v7 =	vsel vm6, $0xFFFFFFFF, v7  }
0x99: {  	v10 =	vld [tilespmem:$0x90];
	v6 =	vsel vm5, $0x0, v6;
	v8, _, _ =	vpop (xrf2)  }
0x9a: {  	v6 =	vadd.f32 v8, v6  }
0x9b: {  	s0 =	sadd.s32 $0xDBC0, s0  }
0x9c: {  	vm4 =	vmand vm4, vm3;
	[tilespmem:s0+$0x0] =	vst v6;
	(ifvalue) =	ssetifvalue $0xFFFFFFFF  }
0x9d: {  	vm6 =	veq.s32 v9, $0x1;
	[hbm4b:s1+s16] =	stream.indirect_vreg.scatter [tilespmem:s0], [sflag:$0x2], $0x1, v7, vm0, $0x4038;
	v7 =	vsel vm4, $0x0, v8;
	[tilespmem:$0x11A60] =	vst v63  }
0x9e: {  	s2 =	simm.s32 $0x0;
	s22 =	sadd.s32 $0x10, s22;
	vm4 =	vmor vm6, vm5;
	v6 =	vsel vm5, v8, v10;
	v7 =	vshift.insert v7, v0, s21  }
.LBB2_7:
0x9f: {  	v8 =	vld [tilespmem:s22+$0x0];
	s30 =	sadd.s32 $0x10, s30  }
0xa0: {  	s31 =	sadd.s32 $0x10, s31;
	v9 =	vld [tilespmem:s30+$0x0]  }
0xa1: {  	s2 =	sadd.s32 $0x10, s2;
	v10 =	vld [tilespmem:s31+$0x0]  }
0xa2: {  	p2 =	slt.u32 s2, $0x1F30;
	_ =	sdelay $0x2  }
0xa3: {  	v7 =	vadd.f32 v9, v7  }
0xa4: {  	vm5 =	vne.s32 v8, $0xFFFFFFFF  }
0xa5: {  	vm6 =	vmand vm5, vm3;
	(xrf2) =	vadd.seg.scan.f32 vm5, v7;
	_ =	sdelay $0x5  }
0xa6: {  	vm7 =	veq.s32 v8, v5;
	vm5 =	veq.s32 v8, v3  }
0xa7: {  	vm8 =	vgt.u32 v8, $0xFFFFFFFD;
	vm4 =	vmor vm4, vm5;
	vm7 =	vmor vm7, vm5  }
0xa8: {  	vm7 =	vmor vm7, vm8  }
0xa9: {  	v8 =	vsel vm7, $0xFFFFFFFF, v8  }
.Ltmp5:
0xaa: {  	v7 =	vsel vm5, $0x0, v10;
	v9, _, _ =	vpop (xrf2);
	(pc) =	sbr.rel @p2 .LBB2_7-.Ltmp5, $4  }
0xab: {  	v6 =	vsel vm5, v9, v6;
	v10 =	vadd.f32 v9, v7;
	v7 =	vsel vm6, $0x0, v9  }
0xac: {  	s0 =	sadd.s32 $0x10, s0;
	v7 =	vshift.insert v7, v0, s21  }
0xad: {  	s22 =	sadd.s32 $0x10, s22;
	[tilespmem:s0+$0x0] =	vst v10;
	(ifvalue) =	ssetifvalue $0xFFFFFFFF  }
0xae: {  	[hbm4b:s1+s16] =	stream.indirect_vreg.scatter [tilespmem:s0], [sflag:$0x2], $0x1, v8, vm0, $0x4038;
	[tilespmem:$0x11A60] =	vst v63  }
0xaf: {  	v3 =	vld [tilespmem:s29+$0xFAF0];
	_ =	sdelay $0x4  }
0xb0: {  	v3 =	vshift.insert v3, v0, s21  }
0xb1: {  	s0 =	simm.s32 $0x30  }
0xb2: {  	[tilespmem:s0+$0x0] =	vst.msk $0x1, v3  }
0xb3: {  	v3 =	vsel vm4, $0x1, v1;
	[tilespmem:$0x90] =	vst v6  }
0xb4: {  	s0 =	sadd.s32 @!p1 $0xFAFF, s29;
	[tilespmem:$0xA0] =	vst v3  }
0xb5: {  	[spmem:s14] =	stream.linear.scatter @!p1 [tilespmem:s0], [sflag:$0x1], $0x1, $0x38;
	[tilespmem:$0x11A60] =	vst v63  }
0xb6: {  	s0 =	simm.s32 @!p1 $0x1  }
0xb7: {  	v3 =	vmctz.xlane @!p1 vm4;
	_ =	swait.ge @!p1 [sflag:s0], $0x1  }
0xb8: {  	(v2sf) =	vpush @!p1 v4, $0x0  }
0xb9: {  	(v2sf) =	vpush @!p1 v3, $0x0;
	_ =	sdelay $0xd  }
0xba: {  	s2 =	spop @!p1 (v2sf)  }
0xbb: {  	s22 =	spop @!p1 (v2sf)  }
0xbc: {  	p2 =	sne.s32 @!p1 s28, s2;
	p3 =	slt.s32 @!p1 s22, $0xF  }
0xbd: {  	[sflag:s0] =	ssyncset.done @!p1 $0x0;
	p2 =	por p2, p1;
	p3 =	por !p3, p1  }
0xbe: {  	[sflag:s0] =	ssyncadd.s32 @!p1 $0xFFFFFFFF;
	v3 =	vimm.s32 @!p2 $0xFFFFFFFF;
	s22 =	simm.s32 @p3 $0xF  }
0xbf: {  	[tilespmem:$0x80] =	vst @!p2 v3;
	s2 =	sadd.s32 @!p1 $0x90, s22  }
0xc0: {  	[spmem:s10] =	stream.linear.scatter @!p1 [tilespmem:s2], [sflag:$0x1], $0x1, $0x38;
	[tilespmem:$0x11A60] =	vst v63  }
0xc1: {  	_ =	swait.ge @!p1 [sflag:s0], $0x1  }
0xc2: {  	[sflag:s0] =	ssyncset.done @!p1 $0x0  }
0xc3: {  	s2 =	simm.s32 @!p1 $0x80;
	[sflag:s0] =	ssyncadd.s32 @!p1 $0xFFFFFFFF  }
0xc4: {  	[spmem:s15] =	stream.linear.scatter @!p1 [tilespmem:s2], [sflag:$0x1], $0x1, $0x38;
	[tilespmem:$0x11A60] =	vst v63  }
0xc5: {  	_ =	swait.ge @!p1 [sflag:s0], $0x1  }
0xc6: {  	[sflag:s0] =	ssyncset.done @!p1 $0x0  }
0xc7: {  	[sflag:s0] =	ssyncadd.s32 @!p1 $0xFFFFFFFF;
	(ifvalue) =	ssetifvalue $0xFFFFFFFF;
	v3 =	vld [tilespmem:s25+$0x10];
	_ =	sdelay $0x3  }
.Ltmp6:
0xc8: {  	_ = 	snop;
	(pc) =	sbr.rel .LBB2_9-.Ltmp6, $3  }
0xc9: {  	_ =	sdelay $0x1  }
0xca: {  	(ifvalue) =	ssetifvalue $0xFFFFFFFF  }
0xcb: {  	[hbm4b:s1+s16] =	stream.indirect_vreg.scatter [tilespmem:s26], [sflag:$0x9], $0x1, v3, vm0, $0x4038;
	[tilespmem:$0x11A60] =	vst v63  }
.LBB2_10:
0xcc: {  	_ =	sfence.sel $0x180000  }
0xcd: {  	s0 =	simm.s32 $0x7;
	[bflag:$0x0] =	sbarrier.arrive $0xFFFF  }
0xce: {  	s26 =	simm.s32 $0x8;
	[sflag:s0] =	ssyncpa.u1 $0x1  }
0xcf: {  	s28 =	simm.s32 $0x9;
	[sflag:s26] =	ssyncpa.u1 $0x1  }
0xd0: {  	[sflag:s28] =	ssyncpa.u1 $0x1  }
0xd1: {  	_ =	sfence.stream.spmem  }
0xd2: {  	s29 =	simm.s32 $0x3;
	[bflag:$0x0] =	sbarrier.arrive $0xFFFF  }
0xd3: {  	s30 =	simm.s32 $0x4;
	[sflag:s29] =	ssyncpa.u1 $0x1  }
0xd4: {  	s31 =	simm.s32 $0x3C;
	s2 =	stileid.u32;
	[sflag:s30] =	ssyncpa.u1 $0x1  }
0xd5: {  	p0 =	sne.s32 s2, $0x0;
	[sflag:s31] =	ssyncpa.u1 $0x1  }
0xd6: {  	s0 =	simm.s32 @p0 $0x1;
	_ =	sfence @p0  }
0xd7: {  	[sflag:s0] =	ssyncpa.u1 @p0 $0x1;
	s0 =	simm.s32 @p0 $0x2  }
0xd8: {  	[sflag:s0] =	ssyncpa.u1 @p0 $0x1  }
0xd9: {  	_ =	strace @p0 $0x9000004A  }
0xda: {  	[bflag:$0x2] =	sbarrier.arrive @p0 $0xFFFF  }
0xdb: {  	_ =	shalt @p0  }
.LBB2_11:
0xdc: {  	_ =	sfence.stream.spmem;
	s0 =	simm.s32 $0x5  }
0xdd: {  	s2 =	simm.s32 $0x80;
	s3 =	simm.s32 $0xC0;
	[sflag:s0] =	ssyncpa.u1 $0x0  }
0xde: {  	[tilespmem:s3], [sflag:$0x5] =	stream.linear.gather [spmem:s2], $0x20, $0x38;
	[tilespmem:$0x11A60] =	vst v63  }
0xdf: {  	s2 =	simm.s32 $0x0;
	s3 =	simm.s32 $0xE0  }
0xe0: {  	[tilespmem:s3], [sflag:$0x5] =	stream.linear.gather [spmem:s2], $0x20, $0x38;
	[tilespmem:$0x11A60] =	vst v63  }
.Ltmp7:
0xe1: {  	_ = 	snop;
	(pc) =	sbr.rel .LBB2_12-.Ltmp7, $4  }
0xe2: {  	_ =	swait.ge [sflag:s0], $0x40  }
0xe3: {  	[sflag:s0] =	ssyncset.done $0x0  }
0xe4: {  	s31 =	simm.s32 $0x6;
	[sflag:s0] =	ssyncadd.s32 $0xFFFFFFC0  }
0xe5: {  	s4 =	simm.s32 $0x0;
	[sflag:s31] =	ssyncpa.u1 $0x0  }
.LBB2_17:
0xe6: {  	p0 =	sgt.u32 s5, $0x27FF  }
0xe7: {  	s0 =	sshrl.u32 @!p0 s5, $0x3  }
0xe8: {  	s5 =	sand.u32 @!p0 $0x7, s5;
	s6 =	simm.s32 @!p0 $0xB0;
	s0 =	sadd.s32 @!p0 s1, s0  }
0xe9: {  	[tilespmem:s6], [sflag:$0x6] =	stream.linear.gather @!p0 [hbm4b:s0+s5], $0x1, $0x38;
	[tilespmem:$0x11A60] =	vst v63  }
0xea: {  	s0 =	simm.s32 @!p0 $0x6  }
0xeb: {  	_ =	swait.ge @!p0 [sflag:s0], $0x1  }
0xec: {  	[sflag:s0] =	ssyncset.done @!p0 $0x0  }
0xed: {  	[sflag:s0] =	ssyncadd.s32 @!p0 $0xFFFFFFFF  }
0xee: {  	v2 =	vmov @!p0 s4;
	v1 =	vld.msk @!p0 [tilespmem:$0xB0], $0x1;
	_ =	sdelay $0x3  }
0xef: {  	s0 =	simm.s32 @!p0 $0xE0  }
0xf0: {  	[tilespmem:v2+s0+$0x0], v1 =	vst.idx.ret.add.f32.msk @!p0 $0x1, v1  }
0xf1: {  	[tilespmem:s2+$0xC0] =	vst.msk $0x1, v0  }
0xf2: {  	v0 =	vld.msk [tilespmem:s4+$0xE0], $0x1;
	_ =	sdelay $0x4  }
0xf3: {  	[tilespmem:s2+$0xE0] =	vst.msk $0x1, v0;
	s2 =	sadd.s32 $0x1, s2  }
.LBB2_19:
0xf4: {  	s4 =	sadd.s32 $0x1, s4  }
0xf5: {  	p0 =	sne.s32 s4, $0x20  }
.Ltmp8:
0xf6: {  	_ = 	snop;
	(pc) =	sbr.rel @!p0 .LBB2_20-.Ltmp8, $1  }
0xf7: {  	_ =	sdelay $0x3  }
.LBB2_12:
0xf8: {  	v0 =	vld.msk [tilespmem:s4+$0xC0], $0x1;
	_ =	sdelay $0x4  }
0xf9: {  	(v2sf) =	vpush v0, $0x0;
	_ =	sdelay $0xe  }
0xfa: {  	s5 =	spop (v2sf)  }
0xfb: {  	p0 =	seq.s32 s5, $0xFFFFFFFF  }
.Ltmp9:
0xfc: {  	_ = 	snop;
	(pc) =	sbr.rel @p0 .LBB2_19-.Ltmp9, $1  }
0xfd: {  	_ =	sdelay $0x3  }
0xfe: {  	p0 =	slt.s32 s2, $0x1  }
.Ltmp10:
0xff: {  	_ = 	snop;
	(pc) =	sbr.rel @p0 .LBB2_17-.Ltmp10, $1  }
0x100: {  	_ =	sdelay $0x3  }
0x101: {  	s0 =	simm.s32 $0xC0;
	p0 =	por $0x0, $0x0  }
0x102: {  	v1 =	vld.msk @!p0 [tilespmem:s0+$0x0], $0x1;
	_ =	sdelay $0x4  }
0x103: {  	(v2sf) =	vpush @!p0 v1, $0x0;
	_ =	sdelay $0xd  }
0x104: {  	p2 =	sne.s32 s2, $0x1  }
.Ltmp11:
0x105: {  	s6 =	spop @!p0 (v2sf);
	(pc) =	sbr.rel @!p2 .LBB2_16-.Ltmp11, $4  }
0x106: {  	p1 =	seq.s32 @!p0 s5, s6  }
0x107: {  	s6 =	simm.s32 $0x0;
	p1 =	por !p1, p0  }
0x108: {  	s8 =	simm.s32 $0xFFFFFFFF;
	s6 =	simm.s32 @p1 $0xFFFFFFFF  }
0x109: {  	s7 =	simm.s32 $0x1;
	s6 =	smov.u32 @p0 s8  }
.LBB2_15:
0x10a: {  	s8 =	smov.u32 s6;
	p0 =	sne.s32 s6, $0xFFFFFFFF  }
0x10b: {  	s0 =	sadd.s32 $0x1, s0;
	s6 =	smov.u32 s7;
	s7 =	sadd.s32 $0x1, s7  }
0x10c: {  	p1 =	sne.s32 s2, s7;
	v1 =	vld.msk @!p0 [tilespmem:s0+$0x0], $0x1;
	_ =	sdelay $0x4  }
0x10d: {  	(v2sf) =	vpush @!p0 v1, $0x0;
	_ =	sdelay $0xe  }
.Ltmp12:
0x10e: {  	s9 =	spop @!p0 (v2sf);
	(pc) =	sbr.rel @p1 .LBB2_15-.Ltmp12, $4  }
0x10f: {  	p2 =	seq.s32 @!p0 s5, s9  }
0x110: {  	p2 =	por !p2, p0  }
0x111: {  	s6 =	simm.s32 @p2 $0xFFFFFFFF  }
0x112: {  	s6 =	smov.u32 @p0 s8  }
.LBB2_16:
0x113: {  	p0 =	sne.s32 s6, $0xFFFFFFFF  }
.Ltmp13:
0x114: {  	_ = 	snop;
	(pc) =	sbr.rel @!p0 .LBB2_17-.Ltmp13, $1  }
0x115: {  	_ =	sdelay $0x3  }
0x116: {  	v0 =	vld.msk [tilespmem:s4+$0xE0], $0x1;
	v1 =	vmov s6  }
.Ltmp14:
0x117: {  	_ = 	snop;
	(pc) =	sbr.rel .LBB2_19-.Ltmp14, $2  }
0x118: {  	_ =	sdelay $0x2  }
0x119: {  	[tilespmem:v1+s3+$0x0], v0 =	vst.idx.ret.add.f32.msk $0x1, v0  }
.LBB2_20:
0x11a: {  	p0 =	slt.s32 s2, $0x1  }
.Ltmp15:
0x11b: {  	_ = 	snop;
	(pc) =	sbr.rel @p0 .LBB2_24-.Ltmp15, $3  }
0x11c: {  	_ =	sdelay $0x1  }
0x11d: {  	s0 =	simm.s32 $0x6  }
0x11e: {  	s3 =	simm.s32 $0x0;
	[sflag:s0] =	ssyncpa.u1 $0x1  }
0x11f: {  	s0 =	simm.s32 $0xC0  }
0x120: {  	v0 =	vld.msk [tilespmem:s0+$0x0], $0x1;
	_ =	sdelay $0x4  }
0x121: {  	(v2sf) =	vpush v0, $0x0;
	_ =	sdelay $0xe  }
0x122: {  	s2 =	sadd.s32 $0xFFFFFFFF, s2;
	s4 =	spop (v2sf)  }
0x123: {  	p1 =	sne.s32 s2, $0x0;
	p0 =	sgt.u32 s4, $0x27FF  }
.Ltmp16:
0x124: {  	s5 =	sshrl.u32 @!p0 s4, $0x3;
	(pc) =	sbr.rel @!p1 .LBB2_23-.Ltmp16, $4  }
0x125: {  	s0 =	simm.s32 $0xE0;
	s4 =	sand.u32 @!p0 $0x7, s4;
	s5 =	sadd.s32 @!p0 s1, s5  }
0x126: {  	[hbm4b:s5+s4] =	stream.linear.scatter @!p0 [tilespmem:s0], [sflag:$0x5], $0x1, $0x38;
	[tilespmem:$0x11A60] =	vst v63  }
0x127: {  	s5 =	simm.s32 $0x0  }
0x128: {  	s4 =	simm.s32 $0xC1;
	s5 =	simm.s32 @!p0 $0x4  }
.LBB2_22:
0x129: {  	v0 =	vld.msk [tilespmem:s4+$0x0], $0x1;
	s2 =	sadd.s32 $0xFFFFFFFF, s2;
	s3 =	sadd.s32 s3, s5  }
0x12a: {  	p0 =	sne.s32 s2, $0x0;
	_ =	sdelay $0x3  }
0x12b: {  	(v2sf) =	vpush v0, $0x0;
	_ =	sdelay $0xe  }
.Ltmp17:
0x12c: {  	s6 =	spop (v2sf);
	(pc) =	sbr.rel @p0 .LBB2_22-.Ltmp17, $4  }
0x12d: {  	s5 =	simm.s32 $0x0;
	p1 =	sgt.u32 s6, $0x27FF  }
0x12e: {  	s0 =	sadd.s32 $0x1, s0;
	s5 =	simm.s32 @!p1 $0x4;
	s7 =	sshrl.u32 @!p1 s6, $0x3  }
0x12f: {  	s4 =	sadd.s32 $0x1, s4;
	s6 =	sand.u32 @!p1 $0x7, s6;
	s7 =	sadd.s32 @!p1 s1, s7  }
0x130: {  	[hbm4b:s7+s6] =	stream.linear.scatter @!p1 [tilespmem:s0], [sflag:$0x5], $0x1, $0x38;
	[tilespmem:$0x11A60] =	vst v63  }
.LBB2_23:
0x131: {  	s0 =	sadd.s32 s3, s5  }
0x132: {  	s3 =	sshrl.u32 s0, $0x2  }
.LBB2_24:
0x133: {  	s0 =	simm.s32 $0x5  }
0x134: {  	_ =	swait.ge [sflag:s0], s3  }
0x135: {  	s1 =	ssub.s32 $0x0, s3;
	[sflag:s0] =	ssyncset.done $0x0  }
0x136: {  	[sflag:s0] =	ssyncadd.s32 s1  }
0x137: {  	[sflag:s0] =	ssyncpa.u1 $0x1  }
0x138: {  	s29 =	simm.s32 $0x1;
	_ =	sfence  }
0x139: {  	s30 =	simm.s32 $0x2;
	[sflag:s29] =	ssyncpa.u1 $0x1  }
0x13a: {  	[sflag:s30] =	ssyncpa.u1 $0x1  }
0x13b: {  	_ =	strace $0x9000004A  }
0x13c: {  	[bflag:$0x2] =	sbarrier.arrive $0xFFFF  }
0x13d: {  	s31 =	rddreg [dreg:$0x1]  }
0x13e: {  	s0 =	sadd.s32 $0x100000, s31  }
0x13f: {  	[sflag:s0] =	ssyncadd.tile.s32 $0x1;
	_ =	shalt  }
.Lfunc_end2:
_tile_overlayer_lowered:
.L_overlay_start_2:
0x140: {  	(tag) =	ssettag $0x2  }
0x141: {  	s0 =	rddreg [dreg:$0x0];
	s2 =	stileid.u32  }
0x142: {  	s1 =	rddreg [dreg:$0x1];
	p0 =	sne.s32 s2, $0x0  }
0x143: {  	s3 =	rddreg [dreg:$0x2];
	[bflag:$0x3] =	sbarrier.arrive $0xFFFF;
	s2 =	simm.s32 @!p0 $0x1C01  }
0x144: {  	[timem:s3], [sflag:s2] =	dma.local @!p0 [hbm:s0], s1  }
0x145: {  	s0 =	simm.s32 @!p0 $0x1  }
0x146: {  	_ =	swait.ge @!p0 [sflag:s0], s1  }
0x147: {  	s1 =	ssub.s32 @!p0 $0x0, s1;
	[sflag:s0] =	ssyncset.done @!p0 $0x0  }
0x148: {  	[sflag:s0] =	ssyncadd.s32 @!p0 s1  }
0x149: {  	[bflag:$0x3] =	sbarrier.arrive $0xFFFF  }
0x14a: {  	_ =	shalt  }

// kernel: scatter_offload_async_start
scs
__scs_entry_jumppad:
0x0: {  	(pc) =	sbr.rel $0x88, $3  }
0x1: {  	(tag) =	ssettag $0x0;
	lr =	simm.s32 $0x1  }
0x2: {  	[smem:$0x3F8C] =	sst lr;
	_ =	strace $0xD0000000  }
0x3: {  	_ = 	snop  }
0x4: {  	_ = 	snop  }
0x5: {  	_ = 	snop  }
0x6: {  	_ = 	snop  }
0x7: {  	_ = 	snop  }
__scs_overlays_trampoline_lowered:
0x8: {  	[smem:$0x3F9B] =	sst s0  }
0x9: {  	[smem:$0x3F9C] =	sst s1  }
0xa: {  	[smem:$0x3F9D] =	sst s2  }
0xb: {  	[smem:$0x3F9E] =	sst s3  }
0xc: {  	[smem:$0x3F9F] =	sst s4  }
0xd: {  	[smem:$0x3FA0] =	sst s5  }
0xe: {  	[smem:$0x3FA1] =	sst s6  }
0xf: {  	[smem:$0x3FA2] =	sst s7  }
0x10: {  	[smem:$0x3FA3] =	sst s8  }
0x11: {  	[smem:$0x3FA4] =	sst s9;
	s0 =	simm.s32 @!p0 $0x0  }
0x12: {  	s1 =	sld [smem:$0x3F8A];
	s0 =	simm.s32 @p0 $0x1  }
0x13: {  	[smem:$0x3FA5] =	sst s0;
	s0 =	simm.s32 @!p1 $0x0  }
0x14: {  	s2 =	sld [smem:$0x3F89];
	s0 =	simm.s32 @p1 $0x1  }
0x15: {  	[smem:$0x3FA6] =	sst s0;
	s0 =	simm.s32 @!p2 $0x0  }
0x16: {  	s3 =	sld [smem:$0x3FDB];
	s0 =	simm.s32 @p2 $0x1  }
0x17: {  	s4 =	simm.s32 $0x1BF5;
	[smem:$0x3FA8] =	sst s0  }
0x18: {  	s0 =	sld [smem:$0x3F8B];
	_ =	swait.ge [sflag:s4], $0x0  }
0x19: {  	s7 =	sld [smem:$0x3F8C]  }
0x1a: {  	s8 =	sadd.s32 $0xFFFFE003, lr  }
0x1b: {  	s9 =	sadd.s32 $0xFFFFFEF7, lr;
	s5 =	simm.s32 $0xFFFFFFFF;
	p2 =	slt.u32 s8, $0xFFFFF086  }
0x1c: {  	p1 =	slt.u32 s9, $0xF7A;
	s5 =	simm.s32 @!p2 $0x0  }
0x1d: {  	s5 =	simm.s32 @p1 $0x1;
	p0 =	seq.s32 s7, s2  }
0x1e: {  	s7 =	smul.u32 @!p0 $0xF7A, s2;
	p2 =	seq.s32 @!p0 s5, $0x0  }
0x1f: {  	s9 =	smul.u32 $0xF7A, s1;
	s8 =	simm.s32 @!p0 $0x1BF5;
	p2 =	por !p2, p0  }
0x20: {  	[sflag:s8] =	ssyncset.s32 @!p0 $0xFFFFF086;
	s6 =	sadd.s32 @!p0 s3, s7;
	s7 =	simm.s32 @!p0 $0x108  }
0x21: {  	s3 =	sadd.s32 s3, s9;
	s6 =	sadd.s32 @!p0 $0x88, s6;
	s7 =	simm.s32 @p2 $0x1082  }
0x22: {  	[simem:s7], [sflag:s8] =	dma.local @!p0 [hbm:s6], $0xF7A  }
0x23: {  	s9 =	sor.u32 $0xD0000000, s2;
	s6 =	simm.s32 $0x108;
	_ =	swait.ge @!p0 [sflag:s8], $0x0  }
0x24: {  	s3 =	sadd.s32 $0x88, s3;
	s6 =	simm.s32 @!p1 $0x1082;
	[sflag:s4] =	ssyncset.s32 $0xFFFFF086  }
0x25: {  	[simem:s6], [sflag:s4] =	dma.local [hbm:s3], $0xF7A  }
0x26: {  	[smem:$0x3F8C] =	sst s1;
	(tag) =	ssettag s2;
	_ =	strace s9  }
0x27: {  	s1 =	sld [smem:$0x3F9C]  }
0x28: {  	s2 =	sld [smem:$0x3F9D]  }
0x29: {  	s4 =	sld [smem:$0x3F9F]  }
0x2a: {  	p0 =	seq.s32 s5, $0x0;
	s5 =	sld [smem:$0x3FA0]  }
0x2b: {  	s6 =	sld [smem:$0x3FA1]  }
0x2c: {  	s7 =	sld [smem:$0x3FA2]  }
0x2d: {  	s3 =	simm.s32 $0x108;
	s8 =	sld [smem:$0x3FA3]  }
0x2e: {  	s3 =	simm.s32 @!p0 $0x1082;
	s9 =	sld [smem:$0x3FA4]  }
0x2f: {  	lr =	sadd.s32 s0, s3;
	s0 =	sld [smem:$0x3F9B]  }
0x30: {  	s3 =	sld [smem:$0x3F9E]  }
0x31: {  	[smem:$0x3FA7] =	sst s10  }
0x32: {  	s10 =	sld [smem:$0x3FA5];
	_ =	sdelay $0x3  }
0x33: {  	p0 =	seq.s32 s10, $0x1;
	s10 =	sld [smem:$0x3FA7];
	_ =	sdelay $0x3  }
0x34: {  	[smem:$0x3FA7] =	sst s10  }
0x35: {  	s10 =	sld [smem:$0x3FA6];
	_ =	sdelay $0x3  }
0x36: {  	p1 =	seq.s32 s10, $0x1;
	s10 =	sld [smem:$0x3FA7];
	_ =	sdelay $0x3  }
0x37: {  	[smem:$0x3FA7] =	sst s10  }
0x38: {  	s10 =	sld [smem:$0x3FA8]  }
0x39: {  	_ = 	snop;
	(pc) =	sbr.ind lr, $3  }
0x3a: {  	_ = 	snop  }
0x3b: {  	_ = 	snop  }
0x3c: {  	p2 =	seq.s32 s10, $0x1;
	s10 =	sld [smem:$0x3FA7]  }
0x3d: {  	_ =	shalt  }
0x3e: {  	_ =	shalt  }
0x3f: {  	_ =	shalt  }
0x40: {  	_ =	shalt  }
0x41: {  	_ =	shalt  }
0x42: {  	_ =	shalt  }
0x43: {  	_ =	shalt  }
0x44: {  	_ =	shalt  }
0x45: {  	_ =	shalt  }
0x46: {  	_ =	shalt  }
0x47: {  	_ =	shalt  }
0x48: {  	_ =	shalt  }
0x49: {  	_ =	shalt  }
0x4a: {  	_ =	shalt  }
0x4b: {  	_ =	shalt  }
0x4c: {  	_ =	shalt  }
0x4d: {  	_ =	shalt  }
0x4e: {  	_ =	shalt  }
0x4f: {  	_ =	shalt  }
0x50: {  	_ =	shalt  }
0x51: {  	_ =	shalt  }
0x52: {  	_ =	shalt  }
0x53: {  	_ =	shalt  }
0x54: {  	_ =	shalt  }
0x55: {  	_ =	shalt  }
0x56: {  	_ =	shalt  }
0x57: {  	_ =	shalt  }
0x58: {  	_ =	shalt  }
0x59: {  	_ =	shalt  }
0x5a: {  	_ =	shalt  }
0x5b: {  	_ =	shalt  }
0x5c: {  	_ =	shalt  }
0x5d: {  	_ =	shalt  }
0x5e: {  	_ =	shalt  }
0x5f: {  	_ =	shalt  }
0x60: {  	_ =	shalt  }
0x61: {  	_ =	shalt  }
0x62: {  	_ =	shalt  }
0x63: {  	_ =	shalt  }
0x64: {  	_ =	shalt  }
0x65: {  	_ =	shalt  }
0x66: {  	_ =	shalt  }
0x67: {  	_ =	shalt  }
0x68: {  	_ =	shalt  }
0x69: {  	_ =	shalt  }
0x6a: {  	_ =	shalt  }
0x6b: {  	_ =	shalt  }
0x6c: {  	_ =	shalt  }
0x6d: {  	_ =	shalt  }
0x6e: {  	_ =	shalt  }
0x6f: {  	_ =	shalt  }
0x70: {  	_ =	shalt  }
0x71: {  	_ =	shalt  }
0x72: {  	_ =	shalt  }
0x73: {  	_ =	shalt  }
0x74: {  	_ =	shalt  }
0x75: {  	_ =	shalt  }
0x76: {  	_ =	shalt  }
0x77: {  	_ =	shalt  }
0x78: {  	_ =	shalt  }
0x79: {  	_ =	shalt  }
0x7a: {  	_ =	shalt  }
0x7b: {  	_ =	shalt  }
0x7c: {  	_ =	shalt  }
0x7d: {  	_ =	shalt  }
0x7e: {  	_ =	shalt  }
0x7f: {  	_ =	shalt  }
0x80: {  	_ =	shalt  }
0x81: {  	_ =	shalt  }
0x82: {  	_ =	shalt  }
0x83: {  	_ =	shalt  }
0x84: {  	_ =	shalt  }
0x85: {  	_ =	shalt  }
0x86: {  	_ =	shalt  }
0x87: {  	_ =	shalt  }
.Lfunc_end0:
.L_simem_size_0:
called_computation_lowered:
.L_overlay_start_0:
0x88: {  	s2 =	sld [smem:$0x3FD9]  }
0x89: {  	s3 =	sld [smem:$0x3FFE];
	_ =	sdelay $0x1  }
0x8a: {  	s1 =	srdreg.scid  }
0x8b: {  	s0 =	sand.u32 $0x1, s1  }
0x8c: {  	s17 =	sshll.u32 s0, $0xA;
	s2 =	sadd.s32 s3, s2  }
0x8d: {  	s2 =	sadd.s32 s2, s17  }
0x8e: {  	[smem:$0x3FB3] =	sst s2  }
0x8f: {  	_ = 	snop  }
0x90: {  	(tm) =	ssettm $0x1  }
0x91: {  	s18 =	sld [smem:$0x3FFB];
	_ =	sdelay $0x3  }
0x92: {  	_ =	strace s18  }
0x93: {  	s2 =	sld [smem:$0x3FFC];
	_ =	sdelay $0x3  }
0x94: {  	_ =	strace s2  }
0x95: {  	s2 =	sld [smem:$0x3FFD];
	_ =	sdelay $0x3  }
0x96: {  	_ =	strace s2  }
0x97: {  	_ =	strace $0x8FFFFFFF  }
0x98: {  	s19 =	sld [smem:$0x3FDB];
	_ =	sdelay $0x1  }
0x99: {  	s20 =	simm.s32 $_scs_section_size  }
0x9a: {  	s4 =	simm.s32 $_size__tile_overlayer_lowered;
	s5 =	simm.s32 $_tile_overlayer_lowered  }
0x9b: {  	s6 =	simm.s32 $0x1BFF;
	s21 =	sshll.u32 s5, $0x1;
	s3 =	sadd.s32 s20, s19  }
0x9c: {  	s22 =	simm.s32 $0x0;
	s4 =	sshll.u32 s4, $0x1;
	s5 =	sadd.s32 s21, s3  }
0x9d: {  	[timem:s22], [sflag:s6] =	dma.local [hbm:s5], s4  }
0x9e: {  	_ =	swait.ge [sflag:s6], s4  }
0x9f: {  	s4 =	ssub.s32 $0x0, s4;
	[sflag:s6] =	ssyncset.done $0x0  }
0xa0: {  	[sflag:s6] =	ssyncadd.s32 s4;
	_ =	sdelay $0x1  }
0xa1: {  	s23 =	simm.s32 $0x1B8B  }
0xa2: {  	_ =	swait.ge [sflag:s23], $0x1  }
0xa3: {  	[sflag:s23] =	ssyncset.done $0x0  }
0xa4: {  	[sflag:s23] =	ssyncadd.s32 $0xFFFFFFFF  }
0xa5: {  	s4 =	sld [smem:$0x0]  }
0xa6: {  	s5 =	sand.u32 $0xFFFFFFFE, s1  }
0xa7: {  	p0 =	sne.s32 s1, s5  }
0xa8: {  	s5 =	sshll.u32 @p0 s5, $0xE  }
0xa9: {  	s5 =	sadd.s32 @p0 $0x11B8D, s5;
	s6 =	sshll.u32 @p0 s4, $0x11  }
0xaa: {  	s5 =	sor.u32 @p0 s6, s5  }
0xab: {  	[sflag:s5] =	ssyncadd.remote.s32 @p0 $0x1;
	_ =	sdelay $0x1  }
0xac: {  	s5 =	simm.s32 @p0 $0x1B8D  }
0xad: {  	_ =	swait.eq @p0 [sflag:s5], $0x1  }
0xae: {  	[sflag:s5] =	ssyncadd.s32 @p0 $0xFFFFFFFF  }
0xaf: {  	s6 =	sshll.u32 @!p0 s1, $0xE  }
0xb0: {  	s6 =	sor.u32 @!p0 $0x4000, s6;
	s5 =	simm.s32 @!p0 $0x1B8D  }
0xb1: {  	s7 =	sshll.u32 @!p0 s4, $0x11;
	s6 =	sadd.s32 @!p0 $0x11B8D, s6;
	_ =	swait.eq @!p0 [sflag:s5], $0x1  }
0xb2: {  	[sflag:s5] =	ssyncadd.s32 @!p0 $0xFFFFFFFF;
	s5 =	sor.u32 @!p0 s7, s6  }
0xb3: {  	s25 =	simm.s32 $0x1B8E;
	s24 =	sld [smem:$0x3FFE];
	[sflag:s5] =	ssyncadd.remote.s32 @!p0 $0x1  }
0xb4: {  	s26 =	simm.s32 $execute0_lowered;
	[smem:$0x3FD2] =	sst s25  }
0xb5: {  	s6 =	sshll.u32 s26, $0x1;
	_ =	strace $0x8000004C;
	[dreg:$0x1] =	wrdreg $0xFFFFFFFF  }
0xb6: {  	s28 =	simm.s32 $_size_execute0_lowered;
	s3 =	sadd.s32 s3, s6;
	[dreg:$0x0] =	wrdreg $0x0  }
0xb7: {  	s6 =	sshll.u32 s28, $0x1;
	[dreg:$0x2] =	wrdreg s3  }
0xb8: {  	[dreg:$0x3] =	wrdreg s6  }
0xb9: {  	[dreg:$0x4] =	wrdreg $0xC0  }
0xba: {  	_ =	task [dreg:s22], $0x5FFFF  }
0xbb: {  	[dreg:$0x1] =	wrdreg $0xFFFFFFFF  }
0xbc: {  	[dreg:$0x0] =	wrdreg $0x60  }
0xbd: {  	[dreg:$0x2] =	wrdreg s24  }
0xbe: {  	[dreg:$0x3] =	wrdreg s1  }
0xbf: {  	[dreg:$0x4] =	wrdreg s4  }
0xc0: {  	[dreg:$0x5] =	wrdreg $0x9  }
0xc1: {  	_ =	task.clear_ibuf [dreg:s22], $0x6FFFF;
	_ =	strace $0x9000004C  }
0xc2: {  	s29 =	simm.s32 $0x9;
	_ =	strace $0x8000004E  }
0xc3: {  	_ =	swait.ge [sflag:s29], $0x1  }
0xc4: {  	[sflag:s29] =	ssyncadd.s32 $0xFFFFFFFF  }
0xc5: {  	_ =	strace $0x9000004E  }
0xc6: {  	_ =	sfence  }
0xc7: {  	s30 =	sld [smem:$0x0];
	_ =	sdelay $0x2  }
0xc8: {  	s31 =	sshll.u32 s1, $0xD;
	s1 =	sshrl.u32 s1, $0x2  }
0xc9: {  	s4 =	sand.u32 $0x4000, s31;
	s1 =	sadd.s32 s1, s30  }
0xca: {  	s0 =	sor.u32 s4, s0;
	s1 =	sshll.u32 s1, $0x11  }
0xcb: {  	s0 =	sor.u32 s1, s0  }
0xcc: {  	s0 =	sadd.s32 $0x8F2B, s0  }
0xcd: {  	[sflag:s0] =	ssyncadd.remote.s32 $0x1  }
0xce: {  	_ =	sfence.sel $0xFFFF  }
0xcf: {  	[dreg:$0x0] =	wrdreg $0xFFFFFFFF;
	(pc) =	sbr.abs _section_cstart, $3  }
0xd0: {  	[dreg:$0x1] =	wrdreg $0xFFFFFFFF  }
0xd1: {  	_ =	task.clear_ibuf [dreg:s22], $0x2FFFF;
	_ =	strace $0x9FFFFFFF  }
0xd2: {  	(tm) =	ssettm $0x7FFFFFFF  }
0xd3: {  	_ =	shalt  }
tec
execute0_lowered:
.L_overlay_start_1:
0x0: {  	(tag) =	ssettag $0x1  }
0x1: {  	s2 =	rddreg [dreg:$0x0]  }
0x2: {  	s3 =	rddreg [dreg:$0x1];
	_ =	strace $0x8000004D;
	s0 =	simm.s32 $0x1  }
0x3: {  	s5 =	simm.s32 $0x208;
	v0 =	vimm.s32 $0x0;
	[sflag:s0] =	ssyncpa.u1 $0x0  }
0x4: {  	[tilespmem:s5+$0x70] =	vst v0  }
0x5: {  	[tilespmem:s5+$0x60] =	vst v0  }
0x6: {  	[tilespmem:s5+$0x50] =	vst v0  }
0x7: {  	[tilespmem:s5+$0x40] =	vst v0  }
0x8: {  	[tilespmem:s5+$0x30] =	vst v0  }
0x9: {  	s1 =	sadd.s32 $0x548A00, s2;
	s0 =	sadd.s32 $0x51600, s2;
	s6 =	sadd.s32 $0x66A00, s2;
	[tilespmem:s5+$0x20] =	vst v0  }
0xa: {  	s4 =	sadd.s32 $0x56600, s2;
	s10 =	sand.u32 $0x1, s3;
	s2 =	simm.s32 $0x40;
	[tilespmem:s5+$0x10] =	vst v0  }
.LBB2_1:
0xb: {  	s2 =	sadd.s32 $0x40, s2;
	[tilespmem:s5+$0x0] =	vst v0;
	s5 =	sadd.s32 $0x80, s5  }
0xc: {  	p0 =	slt.u32 s2, $0x3880;
	[tilespmem:s5+$0x70] =	vst v0  }
0xd: {  	[tilespmem:s5+$0x60] =	vst v0  }
.Ltmp0:
0xe: {  	[tilespmem:s5+$0x50] =	vst v0;
	(pc) =	sbr.rel @p0 .LBB2_1-.Ltmp0, $4  }
0xf: {  	[tilespmem:s5+$0x40] =	vst v0  }
0x10: {  	[tilespmem:s5+$0x30] =	vst v0  }
0x11: {  	[tilespmem:s5+$0x20] =	vst v0  }
0x12: {  	[tilespmem:s5+$0x10] =	vst v0  }
0x13: {  	s11 =	stileid.u32  }
0x14: {  	s2 =	smul.u32 $0x2C, s11  }
0x15: {  	s3 =	smin.u32 s11, $0xB  }
0x16: {  	s2 =	sadd.s32 s3, s2  }
0x17: {  	p0 =	slt.u32 s11, $0xB;
	s20 =	smul.u32 $0x70, s2;
	s2 =	simm.s32 $0x13B0  }
0x18: {  	s2 =	simm.s32 @!p0 $0x1340  }
0x19: {  	s2 =	sadd.s32 s2, s20  }
0x1a: {  	s8 =	smin.u32 s2, $0x13880  }
0x1b: {  	s26 =	simm.s32 $0x2;
	s2 =	ssub.s32 s8, s20  }
0x1c: {  	s9 =	simm.s32 $0x9;
	s29 =	simm.s32 $0xA;
	p0 =	sgt.s32 s2, $0x0  }
0x1d: {  	s30 =	simm.s32 $0xB;
	s31 =	smul.u32 $0x2710, s10;
	s2 =	simm.s32 @!p0 $0x0  }
0x1e: {  	[dreg:$0x4] =	wrdreg s10;
	s12 =	simm.s32 $0x1;
	s25 =	smulhi.u32 $0x92492493, s2  }
0x1f: {  	s24 =	simm.s32 $0x0;
	p1 =	por $0x0, $0x0;
	s18 =	simm.s32 $0x80  }
0x20: {  	s19 =	simm.s32 $0x400;
	s17 =	simm.s32 $0xC;
	s3 =	sshrl.u32 s25, $0x6  }
0x21: {  	s21 =	simm.s32 $0x0;
	s23 =	simm.s32 $0x0;
	s28 =	smul.u32 $0x70, s3  }
.Ltmp1:
0x22: {  	[tilespmem:s5+$0x0] =	vst v0;
	v0 =	vimm.s32 $0xFFFFFFFF;
	[sflag:s26] =	ssyncpa.u1 $0x0;
	s16 =	sshll.u32 s11, $0x9;
	(pc) =	sbr.rel .LBB2_3-.Ltmp1, $4  }
0x23: {  	[tilespmem:$0xE408] =	vst v0;
	[sflag:s9] =	ssyncpa.u1 $0x0;
	p0 =	sne.s32 s2, s28;
	s2 =	simm.s32 $0x1  }
0x24: {  	s14 =	sadd.s32 s31, s4;
	[sflag:s29] =	ssyncpa.u1 $0x0;
	s2 =	simm.s32 @!p0 $0x0  }
0x25: {  	s15 =	sadd.s32 s31, s0;
	[sflag:s30] =	ssyncpa.u1 $0x0;
	s13 =	sadd.s32 s2, s3  }
0x26: {  	v0 =	vlaneseq.u32;
	s22 =	smov.u32 s20;
	p0 =	por $0x1, $0x1;
	s11 =	sadd.s32 $0x1, s13  }
.LBB2_24:
0x27: {  	s2 =	sshrl.u32 s4, $0x2  }
.LBB2_26:
0x28: {  	_ =	swait.ge [sflag:s17], s2  }
0x29: {  	s31 =	ssub.s32 $0x0, s2;
	v1 =	vmov s26;
	vm0 =	veq.s32 v0, $0x0;
	[sflag:s17] =	ssyncset.done $0x0  }
0x2a: {  	vm15 =	veq.s32 v0, $0x2;
	v1 =	vsel vm0, s0, v1;
	[sflag:s17] =	ssyncadd.s32 s31  }
0x2b: {  	v1 =	vsel vm15, s24, v1;
	[sflag:s17] =	ssyncpa.u1 $0x1  }
0x2c: {  	[tilespmem:$0xE408] =	vst v1  }
.LBB2_27:
0x2d: {  	s0 =	sadd.s32 $0x70, s22  }
0x2e: {  	s2 =	smov.u32 s20;
	p2 =	slt.s32 s0, s8  }
0x2f: {  	s2 =	smov.u32 @p2 s0;
	p2 =	sne.s32 s23, s11  }
.Ltmp2:
0x30: {  	_ = 	snop;
	(pc) =	sbr.rel @!p2 .LBB2_28-.Ltmp2, $4  }
0x31: {  	_ = 	snop  }
0x32: {  	s24 =	smov.u32 s21  }
0x33: {  	s31 =	sadd.s32 $0x1, s23;
	s21 =	smov.u32 s22;
	p0 =	por !p0, !p0  }
0x34: {  	p1 =	por !p1, !p1;
	s23 =	smov.u32 s31;
	s22 =	smov.u32 s2  }
.LBB2_3:
0x35: {  	p2 =	sge.u32 s23, s13  }
0x36: {  	s0 =	smulhi.u32 @!p2 $0xAAAAAAAB, s23  }
0x37: {  	s2 =	smov.u32 s22;
	p3 =	sgt.s32 @!p2 s22, $0x13810  }
0x38: {  	s3 =	sshra.s32 @!p2 s22, $0x1F;
	p3 =	por !p3, p2;
	s0 =	sshrl.u32 @!p2 s0, $0x1  }
0x39: {  	s3 =	sand.u32 @!p2 s3, s22;
	s2 =	simm.s32 @p3 $0x13810;
	s0 =	smul.u32 @!p2 $0x3, s0  }
0x3a: {  	s2 =	ssub.s32 @!p2 s2, s3  }
0x3b: {  	s2 =	sadd.s32 @!p2 $0xFFFEC7F0, s2;
	s0 =	ssub.s32 @!p2 s23, s0  }
0x3c: {  	s3 =	sshll.u32 @!p2 s2, $0x2;
	p3 =	sgt.s32 @!p2 s2, $0x6F;
	s0 =	smul.u32 @!p2 $0x1C0, s0  }
0x3d: {  	s4 =	sand.u32 @!p2 $0x7, s22;
	s2 =	ssub.s32 @!p2 $0x1C0, s3;
	p3 =	por !p3, p2  }
0x3e: {  	s3 =	sshrl.u32 @!p2 s22, $0x3;
	s2 =	sshrl.u32 @!p2 s2, $0x2;
	s0 =	sshrl.u32 @!p2 s0, $0x2  }
0x3f: {  	s3 =	sadd.s32 @!p2 s3, s14;
	s2 =	simm.s32 @!p3 $0x0;
	s0 =	sadd.s32 @!p2 $0x10448, s0  }
0x40: {  	[tilespmem:s0], [sflag:$0xA] =	stream.linear.gather @!p2 [hbm4b:s3+s4], s2, $0x38;
	[tilespmem:$0x1E678] =	vst v63  }
0x41: {  	s2 =	sadd.s32 $0xFFFFFFFF, s23  }
0x42: {  	p2 =	sge.u32 s2, s13  }
0x43: {  	p3 =	sgt.s32 @!p2 s21, $0x13810  }
0x44: {  	s0 =	smov.u32 s21;
	s3 =	sshra.s32 @!p2 s21, $0x1F;
	p3 =	por !p3, p2  }
0x45: {  	s3 =	sand.u32 @!p2 s3, s21;
	s0 =	simm.s32 @p3 $0x13810  }
0x46: {  	s0 =	ssub.s32 @!p2 s0, s3  }
0x47: {  	s0 =	sadd.s32 @!p2 $0xFFFEC7F0, s0  }
0x48: {  	s3 =	sshll.u32 @!p2 s0, $0x2  }
0x49: {  	p3 =	sgt.s32 @!p2 s0, $0x6F;
	s0 =	ssub.s32 @!p2 $0x1C0, s3  }
0x4a: {  	p3 =	por !p3, p2;
	s0 =	sshrl.u32 @!p2 s0, $0x2  }
0x4b: {  	s4 =	simm.s32 @!p2 $0xA;
	s3 =	sand.u32 @!p2 $0x1, s2;
	s0 =	simm.s32 @!p3 $0x0  }
0x4c: {  	s3 =	smul.u32 @!p2 $0x1C0, s3;
	_ =	swait.ge @!p2 [sflag:s4], s0  }
0x4d: {  	s5 =	ssub.s32 @!p2 $0x0, s0;
	[sflag:s4] =	ssyncset.done @!p2 $0x0  }
0x4e: {  	s3 =	sshrl.u32 @!p2 s3, $0x2;
	[sflag:s4] =	ssyncadd.s32 @!p2 s5;
	s4 =	sshrl.u32 @!p2 s21, $0x3  }
0x4f: {  	s3 =	sadd.s32 @!p2 $0x10598, s3;
	s5 =	sand.u32 @!p2 $0x7, s21;
	s4 =	sadd.s32 @!p2 s4, s15  }
0x50: {  	[tilespmem:s3], [sflag:$0xB] =	stream.linear.gather @!p2 [hbm4b:s4+s5], s0, $0x38;
	[tilespmem:$0x1E678] =	vst v63  }
0x51: {  	s0 =	ssub.s32 @!p2 $0x13880, s21  }
0x52: {  	p3 =	slt.s32 @!p2 s0, $0x1  }
0x53: {  	p3 =	por p2, p3  }
.Ltmp3:
0x54: {  	_ = 	snop;
	(pc) =	sbr.rel @p3 .LBB2_9-.Ltmp3, $1  }
0x55: {  	_ =	sdelay $0x3  }
0x56: {  	s3 =	smulhi.u32 $0xAAAAAAAB, s2;
	_ =	sdelay $0x1  }
0x57: {  	s3 =	sshrl.u32 s3, $0x1  }
0x58: {  	s3 =	smul.u32 $0x3, s3;
	_ =	sdelay $0x1  }
0x59: {  	s30 =	ssub.s32 s2, s3  }
0x5a: {  	s4 =	simm.s32 $0x1;
	s2 =	smul.u32 $0x1C0, s30  }
.Ltmp4:
0x5b: {  	s4 =	simm.s32 @!p0 $0x0;
	(pc) =	sbr.rel .LBB2_6-.Ltmp4, $4  }
0x5c: {  	s31 =	smul.u32 $0x1C000, s4  }
0x5d: {  	p3 =	slt.s32 @!p2 s0, $0x70;
	s2 =	sshrl.u32 s2, $0x2  }
0x5e: {  	p2 =	por !p3, p2;
	s3 =	sshrl.u32 s31, $0x2;
	s5 =	sadd.s32 $0x10448, s2  }
0x5f: {  	s0 =	simm.s32 @p2 $0x70;
	s4 =	sor.u32 $0x10678, s3;
	s2 =	simm.s32 $0x0;
	v1 =	vmov s5  }
.LBB2_5:
0x60: {  	p2 =	sge.s32 s2, s0  }
.Ltmp5:
0x61: {  	_ = 	snop;
	(pc) =	sbr.rel @p2 .LBB2_9-.Ltmp5, $2  }
0x62: {  	_ =	sdelay $0x2  }
0x63: {  	s4 =	sadd.s32 $0x1000, s4  }
.LBB2_6:
0x64: {  	p2 =	sle.s32 s0, s2  }
.Ltmp6:
0x65: {  	_ = 	snop;
	(pc) =	sbr.rel @p2 .LBB2_5-.Ltmp6, $2  }
0x66: {  	_ =	sdelay $0x2  }
0x67: {  	s5 =	smov.u32 s2;
	s2 =	sadd.s32 $0x10, s2  }
0x68: {  	s3 =	ssub.s32 s0, s5  }
0x69: {  	p2 =	slt.s32 s3, $0x10  }
0x6a: {  	s3 =	simm.s32 @!p2 $0x10  }
0x6b: {  	v2 =	vmov s3  }
0x6c: {  	vm0 =	vgt.s32 v2, v0;
	_ =	sdelay $0x5  }
0x6d: {  	v2 =	vld.idx.msk [tilespmem:v1+s5+$0x0 ss:$0x1], vm0;
	_ =	sdelay $0x2  }
0x6e: {  	p2 =	slt.s32 s2, s0;
	s3 =	smov.u32 s0  }
0x6f: {  	s9 =	smov.u32 s4;
	s25 =	simm.s32 $0x0;
	s3 =	smov.u32 @p2 s2  }
.LBB2_8:
0x70: {  	(v2sf) =	vpush v2, s25;
	_ =	sdelay $0xe  }
0x71: {  	s25 =	sadd.s32 $0x1, s25;
	s10 =	spop (v2sf)  }
0x72: {  	s31 =	sadd.s32 s25, s5;
	s26 =	sshll.u32 s10, $0x8;
	s10 =	sshll.u32 s10, $0x7  }
0x73: {  	p2 =	slt.s32 s31, s3;
	s26 =	sand.u32 $0xFFFFF800, s26;
	s10 =	sand.u32 $0x380, s10  }
.Ltmp7:
0x74: {  	s10 =	sor.u32 s10, s26;
	(pc) =	sbr.rel @p2 .LBB2_8-.Ltmp7, $4  }
0x75: {  	s10 =	sshrl.u32 s10, $0x3  }
0x76: {  	s10 =	sadd.s32 s6, s10  }
0x77: {  	[tilespmem:s9], [sflag:$0x9] =	stream.strided.gather [hbm4b:s10+s18], $0x100, s19, s18, $0x38;
	[tilespmem:$0x1E678] =	vst v63  }
0x78: {  	s9 =	sadd.s32 $0x100, s9  }
.Ltmp8:
0x79: {  	_ = 	snop;
	(pc) =	sbr.rel .LBB2_5-.Ltmp8, $1  }
0x7a: {  	_ =	sdelay $0x3  }
.LBB2_9:
0x7b: {  	p2 =	slt.u32 s23, $0x2  }
.Ltmp9:
0x7c: {  	_ = 	snop;
	(pc) =	sbr.rel @p2 .LBB2_27-.Ltmp9, $1  }
0x7d: {  	_ =	sdelay $0x3  }
0x7e: {  	p2 =	sgt.s32 s24, $0x13810  }
0x7f: {  	s0 =	smov.u32 s24;
	s2 =	sshra.s32 s24, $0x1F;
	s3 =	ssub.s32 $0x13880, s24  }
0x80: {  	s0 =	simm.s32 @!p2 $0x13810;
	s2 =	sand.u32 s2, s24;
	p2 =	slt.s32 s3, $0x70  }
0x81: {  	s0 =	ssub.s32 s0, s2;
	s3 =	simm.s32 @!p2 $0x70  }
0x82: {  	s0 =	sadd.s32 $0xFFFEC7F0, s0;
	s9 =	sshll.u32 s3, $0x8  }
0x83: {  	s26 =	simm.s32 $0x9;
	s10 =	sshll.u32 s0, $0x2;
	s2 =	sand.u32 $0x3FFFFF00, s9  }
0x84: {  	p2 =	sgt.s32 s0, $0x6F;
	s25 =	ssub.s32 $0x1C0, s10;
	_ =	swait.ge [sflag:s26], s2  }
0x85: {  	s2 =	ssub.s32 $0x0, s2;
	[sflag:s26] =	ssyncset.done $0x0;
	s0 =	sshrl.u32 s25, $0x2  }
0x86: {  	s29 =	simm.s32 $0xB;
	[sflag:s26] =	ssyncadd.s32 s2;
	s0 =	simm.s32 @p2 $0x0  }
0x87: {  	_ =	swait.ge [sflag:s29], s0  }
0x88: {  	s0 =	ssub.s32 $0x0, s0;
	[sflag:s29] =	ssyncset.done $0x0  }
0x89: {  	[sflag:s29] =	ssyncadd.s32 s0  }
0x8a: {  	v1 =	vld [tilespmem:$0xE408];
	_ =	sdelay $0x4  }
0x8b: {  	(v2sf) =	vpush v1, $0x0  }
0x8c: {  	(v2sf) =	vpush v1, $0x1  }
0x8d: {  	(v2sf) =	vpush v1, $0x2;
	_ =	sdelay $0x3  }
0x8e: {  	s0 =	sadd.s32 $0x70, s24  }
0x8f: {  	s2 =	ssub.s32 $0x27100, s24;
	p2 =	slt.s32 s8, s0  }
0x90: {  	s0 =	smov.u32 @p2 s8;
	p2 =	sgt.s32 s2, $0x0  }
0x91: {  	s0 =	ssub.s32 s0, s24;
	s2 =	simm.s32 @!p2 $0x0  }
0x92: {  	p2 =	slt.s32 s2, s0  }
0x93: {  	s0 =	smov.u32 @p2 s2  }
0x94: {  	s4 =	simm.s32 $0x1;
	p2 =	slt.s32 s0, $0x1  }
.Ltmp10:
0x95: {  	s4 =	simm.s32 @!p1 $0x0;
	(pc) =	sbr.rel @p2 .LBB2_14-.Ltmp10, $4  }
0x96: {  	s30 =	smul.u32 $0x1C0, s4  }
0x97: {  	s5 =	spop (v2sf)  }
0x98: {  	s31 =	sshrl.u32 s30, $0x2;
	s28 =	spop (v2sf)  }
0x99: {  	s25 =	sadd.s32 $0x10598, s31;
	s24 =	spop (v2sf)  }
0x9a: {  	s2 =	smin.u32 s0, $0x10  }
0x9b: {  	v1 =	vmov s2  }
0x9c: {  	vm1 =	vgt.u32 v1, v0  }
0x9d: {  	p3 =	sgt.s32 s0, $0x10  }
.Ltmp11:
0x9e: {  	_ = 	snop;
	(pc) =	sbr.rel @!p3 .LBB2_13-.Ltmp11, $2  }
0x9f: {  	_ =	sdelay $0x2  }
0xa0: {  	s26 =	simm.s32 $0x10;
	s29 =	sadd.s32 $0xFFFFFFF0, s0;
	s2 =	smov.u32 s25;
	vm0 =	vmmov vm1;
	v1 =	vld.msk [tilespmem:s25+$0x0 ss:$0x1], vm1  }
.LBB2_12:
0xa1: {  	s3 =	smin.u32 s29, $0x10;
	s26 =	sadd.s32 $0x10, s26  }
0xa2: {  	v2 =	vmov s3;
	p3 =	slt.s32 s26, s0  }
0xa3: {  	vm1 =	vgt.u32 v2, v0;
	_ =	sdelay $0x1  }
0xa4: {  	v2 =	vshll.u32 v1, $0x5;
	v1 =	vshll.u32 v1, $0x4  }
.Ltmp12:
0xa5: {  	v2 =	vand.u32 $0xFFFFFF00, v2;
	v1 =	vand.u32 $0x70, v1;
	(pc) =	sbr.rel @p3 .LBB2_12-.Ltmp12, $4  }
0xa6: {  	v1 =	vor.u32 v1, v2  }
0xa7: {  	[tilespmem:s2+$0x0] =	vst.msk vm0, v1;
	s2 =	sadd.s32 $0x10, s2;
	vm0 =	vmmov vm1  }
0xa8: {  	v1 =	vld.msk [tilespmem:s2+$0x0 ss:$0x1], vm1  }
0xa9: {  	s29 =	sadd.s32 $0xFFFFFFF0, s29  }
.LBB2_13:
0xaa: {  	_ =	sdelay $0x3  }
0xab: {  	v2 =	vshll.u32 v1, $0x5;
	v1 =	vshll.u32 v1, $0x4  }
0xac: {  	v2 =	vand.u32 $0xFFFFFF00, v2;
	v1 =	vand.u32 $0x70, v1  }
0xad: {  	v1 =	vor.u32 v1, v2  }
0xae: {  	[tilespmem:s2+$0x0] =	vst.msk vm0, v1  }
.LBB2_14:
0xaf: {  	s2 =	sand.u32 $0x1, s23  }
0xb0: {  	s2 =	smul.u32 $0x70, s2  }
0xb1: {  	p3 =	sne.s32 s28, $0xFFFFFFFF  }
0xb2: {  	v1 =	vld.msk @!p3 [tilespmem:s2+$0x10598], $0x1;
	_ =	sdelay $0x4  }
0xb3: {  	(v2sf) =	vpush @!p3 v1, $0x0;
	_ =	sdelay $0xc  }
.Ltmp13:
0xb4: {  	_ = 	snop;
	(pc) =	sbr.rel @p2 .LBB2_25-.Ltmp13, $4  }
0xb5: {  	_ = 	snop  }
0xb6: {  	s31 =	spop @!p3 (v2sf)  }
0xb7: {  	s24 =	simm.s32 @!p3 $0x0;
	s26 =	smov.u32 s31  }
0xb8: {  	[sflag:s17] =	ssyncpa.u1 $0x0;
	s31 =	smov.u32 @p3 s5;
	s26 =	smov.u32 @p3 s28  }
0xb9: {  	v1 =	vld.msk [tilespmem:s25+$0x0], $0x1;
	_ =	sdelay $0x4  }
0xba: {  	(v2sf) =	vpush v1, $0x0;
	_ =	sdelay $0xe  }
0xbb: {  	s7 =	smov.u32 s11;
	s5 =	spop (v2sf)  }
0xbc: {  	s17 =	smov.u32 s15;
	s2 =	smul.u32 $0x1C000, s4;
	p2 =	seq.s32 s31, s5  }
0xbd: {  	s3 =	smov.u32 s31;
	s29 =	ssub.s32 $0x0, s0;
	p3 =	sgt.s32 @!p2 s31, $0x0  }
0xbe: {  	s30 =	simm.s32 $0x0;
	s2 =	sshrl.u32 s2, $0x2;
	p3 =	por !p3, p2  }
0xbf: {  	s0 =	sadd.s32 $0x1, s29;
	s28 =	sor.u32 $0x106F8, s2;
	s3 =	simm.s32 @p3 $0x0  }
0xc0: {  	s2 =	simm.s32 @!p2 $0x1;
	p3 =	seq.s32 s0, $0x0;
	s3 =	smin.u32 @!p2 s3, $0x4FF70  }
.Ltmp14:
0xc1: {  	s4 =	simm.s32 @!p2 $0x7308;
	s9 =	sand.u32 @!p2 $0x7FFF8, s3;
	(pc) =	sbr.rel @p3 .LBB2_17-.Ltmp14, $4  }
0xc2: {  	s10 =	sadd.s32 @!p2 $0x80, s3;
	s11 =	sadd.s32 @!p2 s1, s9;
	s9 =	sand.u32 @!p2 $0x7, s3  }
0xc3: {  	[tilespmem:s4], [sflag:$0x2] =	stream.linear.gather @!p2 [hbm4b:s11+s9], $0x80, $0x38;
	[tilespmem:$0x1E678] =	vst v63  }
0xc4: {  	s15 =	smov.u32 s14;
	s2 =	smov.u32 @p2 s30;
	s4 =	sand.u32 @!p2 $0xFFFF8, s10  }
0xc5: {  	s3 =	simm.s32 @!p2 $0x7388;
	s10 =	sadd.s32 @!p2 s1, s4;
	s4 =	sadd.s32 $0x1, s25  }
.LBB2_16:
0xc6: {  	s11 =	smov.u32 s2  }
0xc7: {  	[tilespmem:s3], [sflag:$0x2] =	stream.linear.gather @!p2 [hbm4b:s10+s9], $0x80, $0x38;
	[tilespmem:$0x1E678] =	vst v63  }
0xc8: {  	s0 =	sadd.s32 $0x1, s0;
	s9 =	smov.u32 s5;
	v1 =	vld.msk [tilespmem:s4+$0x0], $0x1  }
0xc9: {  	p3 =	seq.s32 s0, $0x0;
	_ =	sdelay $0x3  }
0xca: {  	(v2sf) =	vpush v1, $0x0;
	_ =	sdelay $0xe  }
0xcb: {  	s5 =	spop (v2sf)  }
0xcc: {  	p2 =	seq.s32 s9, s5  }
0xcd: {  	p4 =	sgt.s32 @!p2 s9, $0x0;
	s3 =	sshll.u32 @!p2 s2, $0xA;
	s2 =	sadd.s32 @!p2 $0x1, s2  }
0xce: {  	p4 =	por !p4, p2;
	s3 =	sshra.s32 @!p2 s3, $0x2;
	s2 =	smov.u32 @p2 s11  }
0xcf: {  	s9 =	simm.s32 @p4 $0x0;
	s10 =	sadd.s32 @!p2 $0x7308, s3;
	s3 =	sadd.s32 @!p2 $0x7388, s3  }
.Ltmp15:
0xd0: {  	s9 =	smin.u32 @!p2 s9, $0x4FF70;
	(pc) =	sbr.rel @!p3 .LBB2_16-.Ltmp15, $4  }
0xd1: {  	s11 =	sand.u32 @!p2 $0x7FFF8, s9;
	s14 =	sadd.s32 @!p2 $0x80, s9  }
0xd2: {  	s9 =	sand.u32 @!p2 $0x7, s9;
	s11 =	sadd.s32 @!p2 s1, s11;
	s14 =	sand.u32 @!p2 $0xFFFF8, s14  }
0xd3: {  	[tilespmem:s10], [sflag:$0x2] =	stream.linear.gather @!p2 [hbm4b:s11+s9], $0x80, $0x38;
	[tilespmem:$0x1E678] =	vst v63  }
0xd4: {  	s4 =	sadd.s32 $0x1, s4;
	s10 =	sadd.s32 @!p2 s1, s14  }
.LBB2_17:
0xd5: {  	[tilespmem:s3], [sflag:$0x2] =	stream.linear.gather @!p2 [hbm4b:s10+s9], $0x80, $0x38;
	[tilespmem:$0x1E678] =	vst v63  }
0xd6: {  	s0 =	sshll.u32 s2, $0x8  }
.Ltmp16:
0xd7: {  	s14 =	simm.s32 $0x2;
	s0 =	sand.u32 $0x3FFFFF00, s0;
	(pc) =	sbr.rel .LBB2_18-.Ltmp16, $4  }
0xd8: {  	_ =	swait.ge [sflag:s14], s0  }
0xd9: {  	s0 =	ssub.s32 $0x0, s0;
	[sflag:s14] =	ssyncset.done $0x0  }
0xda: {  	s4 =	simm.s32 $0x0;
	s11 =	smov.u32 s7;
	[sflag:s14] =	ssyncadd.s32 s0  }
0xdb: {  	s14 =	smov.u32 s15;
	s15 =	smov.u32 s17;
	s17 =	simm.s32 $0xC  }
.LBB2_19:
0xdc: {  	v1 =	vld [tilespmem:s28+$0xFFFFFF80];
	_ =	sdelay $0x4  }
0xdd: {  	[tilespmem:s5+$0x208] =	vst.add.f32.msk $0xffff, v1  }
0xde: {  	v1 =	vld [tilespmem:s28+$0xFFFFFF90];
	_ =	sdelay $0x4  }
0xdf: {  	[tilespmem:s5+$0x218] =	vst.add.f32.msk $0xffff, v1  }
0xe0: {  	v1 =	vld [tilespmem:s28+$0xFFFFFFA0];
	_ =	sdelay $0x4  }
0xe1: {  	[tilespmem:s5+$0x228] =	vst.add.f32.msk $0xffff, v1  }
0xe2: {  	v1 =	vld [tilespmem:s28+$0xFFFFFFB0];
	_ =	sdelay $0x4  }
0xe3: {  	[tilespmem:s5+$0x238] =	vst.add.f32.msk $0xffff, v1  }
0xe4: {  	v1 =	vld [tilespmem:s28+$0xFFFFFFC0];
	_ =	sdelay $0x4  }
0xe5: {  	[tilespmem:s5+$0x248] =	vst.add.f32.msk $0xffff, v1  }
0xe6: {  	v1 =	vld [tilespmem:s28+$0xFFFFFFD0];
	_ =	sdelay $0x4  }
0xe7: {  	[tilespmem:s5+$0x258] =	vst.add.f32.msk $0xffff, v1  }
0xe8: {  	v1 =	vld [tilespmem:s28+$0xFFFFFFE0];
	_ =	sdelay $0x4  }
0xe9: {  	[tilespmem:s5+$0x268] =	vst.add.f32.msk $0xffff, v1  }
0xea: {  	v1 =	vld [tilespmem:s28+$0xFFFFFFF0];
	_ =	sdelay $0x4  }
0xeb: {  	[tilespmem:s5+$0x278] =	vst.add.f32.msk $0xffff, v1  }
0xec: {  	v1 =	vld [tilespmem:s28+$0x0];
	_ =	sdelay $0x4  }
0xed: {  	[tilespmem:s5+$0x288] =	vst.add.f32.msk $0xffff, v1  }
0xee: {  	v1 =	vld [tilespmem:s28+$0x10];
	_ =	sdelay $0x4  }
0xef: {  	[tilespmem:s5+$0x298] =	vst.add.f32.msk $0xffff, v1  }
0xf0: {  	v1 =	vld [tilespmem:s28+$0x20];
	_ =	sdelay $0x4  }
0xf1: {  	[tilespmem:s5+$0x2A8] =	vst.add.f32.msk $0xffff, v1  }
0xf2: {  	v1 =	vld [tilespmem:s28+$0x30];
	_ =	sdelay $0x4  }
0xf3: {  	[tilespmem:s5+$0x2B8] =	vst.add.f32.msk $0xffff, v1  }
0xf4: {  	v1 =	vld [tilespmem:s28+$0x40];
	_ =	sdelay $0x4  }
0xf5: {  	[tilespmem:s5+$0x2C8] =	vst.add.f32.msk $0xffff, v1  }
0xf6: {  	v1 =	vld [tilespmem:s28+$0x50];
	_ =	sdelay $0x4  }
0xf7: {  	[tilespmem:s5+$0x2D8] =	vst.add.f32.msk $0xffff, v1  }
0xf8: {  	v1 =	vld [tilespmem:s28+$0x60];
	_ =	sdelay $0x4  }
0xf9: {  	[tilespmem:s5+$0x2E8] =	vst.add.f32.msk $0xffff, v1  }
0xfa: {  	v1 =	vld [tilespmem:s28+$0x70];
	_ =	sdelay $0x4  }
0xfb: {  	[tilespmem:s5+$0x2F8] =	vst.add.f32.msk $0xffff, v1  }
.LBB2_23:
0xfc: {  	s29 =	sadd.s32 $0x1, s29  }
0xfd: {  	p2 =	seq.s32 s29, $0x0  }
.Ltmp17:
0xfe: {  	_ = 	snop;
	(pc) =	sbr.rel @p2 .LBB2_24-.Ltmp17, $2  }
0xff: {  	_ =	sdelay $0x2  }
0x100: {  	s25 =	sadd.s32 $0x1, s25;
	s28 =	sadd.s32 $0x100, s28;
	s31 =	smov.u32 s0  }
.LBB2_18:
0x101: {  	v1 =	vld.msk [tilespmem:s25+$0x0], $0x1;
	_ =	sdelay $0x4  }
0x102: {  	(v2sf) =	vpush v1, $0x0;
	_ =	sdelay $0xe  }
0x103: {  	s0 =	spop (v2sf)  }
0x104: {  	p2 =	sne.s32 s31, s0  }
.Ltmp18:
0x105: {  	_ = 	snop;
	(pc) =	sbr.rel @!p2 .LBB2_19-.Ltmp18, $3  }
0x106: {  	_ =	sdelay $0x1  }
0x107: {  	s2 =	sshll.u32 s24, $0xA  }
0x108: {  	s5 =	sshra.s32 s2, $0x2  }
0x109: {  	p2 =	seq.s32 s31, s26  }
.Ltmp19:
0x10a: {  	_ = 	snop;
	(pc) =	sbr.rel @!p2 .LBB2_21-.Ltmp19, $1  }
0x10b: {  	_ =	sdelay $0x3  }
.Ltmp20:
0x10c: {  	s2 =	sadd.s32 $0x208, s5;
	(pc) =	sbr.rel .LBB2_22-.Ltmp20, $4  }
0x10d: {  	[spmem:s16] =	stream.linear.scatter [tilespmem:s2], [sflag:$0x1], $0x100, $0x38;
	[tilespmem:$0x1E678] =	vst v63  }
0x10e: {  	_ =	swait.ge [sflag:s12], $0x100  }
0x10f: {  	[sflag:s12] =	ssyncset.done $0x0  }
0x110: {  	[sflag:s12] =	ssyncadd.s32 $0xFFFFFF00  }
.LBB2_21:
0x111: {  	s2 =	sshll.u32 s30, $0xA  }
0x112: {  	s2 =	sshra.s32 s2, $0x2  }
0x113: {  	v1 =	vld [tilespmem:s2+$0x7308];
	_ =	sdelay $0x4  }
0x114: {  	[tilespmem:s5+$0x208] =	vst.add.f32.msk $0xffff, v1  }
0x115: {  	v1 =	vld [tilespmem:s2+$0x7318];
	_ =	sdelay $0x4  }
0x116: {  	[tilespmem:s5+$0x218] =	vst.add.f32.msk $0xffff, v1  }
0x117: {  	v1 =	vld [tilespmem:s2+$0x7328];
	_ =	sdelay $0x4  }
0x118: {  	[tilespmem:s5+$0x228] =	vst.add.f32.msk $0xffff, v1  }
0x119: {  	v1 =	vld [tilespmem:s2+$0x7338];
	_ =	sdelay $0x4  }
0x11a: {  	[tilespmem:s5+$0x238] =	vst.add.f32.msk $0xffff, v1  }
0x11b: {  	v1 =	vld [tilespmem:s2+$0x7348];
	_ =	sdelay $0x4  }
0x11c: {  	[tilespmem:s5+$0x248] =	vst.add.f32.msk $0xffff, v1  }
0x11d: {  	v1 =	vld [tilespmem:s2+$0x7358];
	_ =	sdelay $0x4  }
0x11e: {  	[tilespmem:s5+$0x258] =	vst.add.f32.msk $0xffff, v1  }
0x11f: {  	v1 =	vld [tilespmem:s2+$0x7368];
	_ =	sdelay $0x4  }
0x120: {  	[tilespmem:s5+$0x268] =	vst.add.f32.msk $0xffff, v1  }
0x121: {  	v1 =	vld [tilespmem:s2+$0x7378];
	_ =	sdelay $0x4  }
0x122: {  	[tilespmem:s5+$0x278] =	vst.add.f32.msk $0xffff, v1  }
0x123: {  	v1 =	vld [tilespmem:s2+$0x7388];
	_ =	sdelay $0x4  }
0x124: {  	[tilespmem:s5+$0x288] =	vst.add.f32.msk $0xffff, v1  }
0x125: {  	v1 =	vld [tilespmem:s2+$0x7398];
	_ =	sdelay $0x4  }
0x126: {  	[tilespmem:s5+$0x298] =	vst.add.f32.msk $0xffff, v1  }
0x127: {  	v1 =	vld [tilespmem:s2+$0x73A8];
	_ =	sdelay $0x4  }
0x128: {  	[tilespmem:s5+$0x2A8] =	vst.add.f32.msk $0xffff, v1  }
0x129: {  	v1 =	vld [tilespmem:s2+$0x73B8];
	_ =	sdelay $0x4  }
0x12a: {  	[tilespmem:s5+$0x2B8] =	vst.add.f32.msk $0xffff, v1  }
0x12b: {  	v1 =	vld [tilespmem:s2+$0x73C8];
	_ =	sdelay $0x4  }
0x12c: {  	[tilespmem:s5+$0x2C8] =	vst.add.f32.msk $0xffff, v1  }
0x12d: {  	v1 =	vld [tilespmem:s2+$0x73D8];
	_ =	sdelay $0x4  }
0x12e: {  	[tilespmem:s5+$0x2D8] =	vst.add.f32.msk $0xffff, v1  }
0x12f: {  	v1 =	vld [tilespmem:s2+$0x73E8];
	_ =	sdelay $0x4  }
0x130: {  	[tilespmem:s5+$0x2E8] =	vst.add.f32.msk $0xffff, v1  }
0x131: {  	v1 =	vld [tilespmem:s2+$0x73F8];
	_ =	sdelay $0x2  }
0x132: {  	p2 =	sgt.u32 s31, $0x4FF70  }
0x133: {  	s2 =	sand.u32 @!p2 $0x7FFF8, s31  }
0x134: {  	s3 =	sadd.s32 $0x208, s5;
	s9 =	sand.u32 @!p2 $0x7, s31;
	s2 =	sadd.s32 @!p2 s1, s2;
	[tilespmem:s5+$0x2F8] =	vst.add.f32.msk $0xffff, v1  }
0x135: {  	[hbm4b:s2+s9] =	stream.linear.scatter @!p2 [tilespmem:s3], [sflag:$0xC], $0x80, $0x38;
	[tilespmem:$0x1E678] =	vst v63  }
0x136: {  	s2 =	sadd.s32 @!p2 $0x80, s31  }
0x137: {  	s2 =	sand.u32 @!p2 $0xFFFF8, s2  }
0x138: {  	s3 =	sadd.s32 $0x288, s5;
	s2 =	sadd.s32 @!p2 s1, s2  }
0x139: {  	[hbm4b:s2+s9] =	stream.linear.scatter @!p2 [tilespmem:s3], [sflag:$0xC], $0x80, $0x38;
	[tilespmem:$0x1E678] =	vst v63  }
0x13a: {  	s2 =	simm.s32 $0x0  }
0x13b: {  	s2 =	simm.s32 @!p2 $0x400  }
0x13c: {  	s4 =	sadd.s32 s2, s4  }
.LBB2_22:
0x13d: {  	s2 =	sadd.s32 $0x1, s24  }
0x13e: {  	s3 =	sshrl.u32 s2, $0x4  }
0x13f: {  	s3 =	smulhi.u32 $0x24924925, s3  }
0x140: {  	v1 =	vld [tilespmem:s28+$0xFFFFFF80]  }
0x141: {  	s3 =	smul.u32 $0x70, s3;
	_ =	sdelay $0x1  }
0x142: {  	s24 =	ssub.s32 s2, s3  }
0x143: {  	s2 =	sshll.u32 s24, $0x8  }
0x144: {  	[tilespmem:s2+$0x208] =	vst v1  }
0x145: {  	v1 =	vld [tilespmem:s28+$0xFFFFFF90];
	_ =	sdelay $0x4  }
0x146: {  	[tilespmem:s2+$0x218] =	vst v1  }
0x147: {  	v1 =	vld [tilespmem:s28+$0xFFFFFFA0];
	_ =	sdelay $0x4  }
0x148: {  	[tilespmem:s2+$0x228] =	vst v1  }
0x149: {  	v1 =	vld [tilespmem:s28+$0xFFFFFFB0];
	_ =	sdelay $0x4  }
0x14a: {  	[tilespmem:s2+$0x238] =	vst v1  }
0x14b: {  	v1 =	vld [tilespmem:s28+$0xFFFFFFC0];
	_ =	sdelay $0x4  }
0x14c: {  	[tilespmem:s2+$0x248] =	vst v1  }
0x14d: {  	v1 =	vld [tilespmem:s28+$0xFFFFFFD0];
	_ =	sdelay $0x4  }
0x14e: {  	[tilespmem:s2+$0x258] =	vst v1  }
0x14f: {  	v1 =	vld [tilespmem:s28+$0xFFFFFFE0];
	_ =	sdelay $0x4  }
0x150: {  	[tilespmem:s2+$0x268] =	vst v1  }
0x151: {  	v1 =	vld [tilespmem:s28+$0xFFFFFFF0];
	_ =	sdelay $0x4  }
0x152: {  	[tilespmem:s2+$0x278] =	vst v1  }
0x153: {  	v1 =	vld [tilespmem:s28+$0x0];
	_ =	sdelay $0x4  }
0x154: {  	[tilespmem:s2+$0x288] =	vst v1  }
0x155: {  	v1 =	vld [tilespmem:s28+$0x10];
	_ =	sdelay $0x4  }
0x156: {  	[tilespmem:s2+$0x298] =	vst v1  }
0x157: {  	v1 =	vld [tilespmem:s28+$0x20];
	_ =	sdelay $0x4  }
0x158: {  	[tilespmem:s2+$0x2A8] =	vst v1  }
0x159: {  	v1 =	vld [tilespmem:s28+$0x30];
	_ =	sdelay $0x4  }
0x15a: {  	[tilespmem:s2+$0x2B8] =	vst v1  }
0x15b: {  	v1 =	vld [tilespmem:s28+$0x40];
	_ =	sdelay $0x4  }
0x15c: {  	[tilespmem:s2+$0x2C8] =	vst v1  }
0x15d: {  	v1 =	vld [tilespmem:s28+$0x50];
	_ =	sdelay $0x4  }
0x15e: {  	[tilespmem:s2+$0x2D8] =	vst v1  }
0x15f: {  	v1 =	vld [tilespmem:s28+$0x60];
	_ =	sdelay $0x4  }
0x160: {  	[tilespmem:s2+$0x2E8] =	vst v1  }
0x161: {  	v1 =	vld [tilespmem:s28+$0x70]  }
.Ltmp21:
0x162: {  	_ = 	snop;
	(pc) =	sbr.rel .LBB2_23-.Ltmp21, $2  }
0x163: {  	_ =	sdelay $0x2  }
0x164: {  	s30 =	sadd.s32 $0x1, s30;
	[tilespmem:s2+$0x2F8] =	vst v1  }
.LBB2_25:
.Ltmp22:
0x165: {  	(pc) =	sbr.rel .LBB2_26-.Ltmp22, $4  }
0x166: {  	_ = 	snop  }
0x167: {  	s0 =	simm.s32 $0x2  }
0x168: {  	_ =	swait.ge [sflag:s0], $0x0  }
0x169: {  	s2 =	simm.s32 $0x0;
	[sflag:s0] =	ssyncset.done $0x0;
	s0 =	smov.u32 s31  }
.LBB2_28:
0x16a: {  	_ =	sfence.sel $0x180000  }
0x16b: {  	s0 =	simm.s32 $0x9;
	[bflag:$0x0] =	sbarrier.arrive $0xFFFF  }
0x16c: {  	s24 =	simm.s32 $0xA;
	[sflag:s0] =	ssyncpa.u1 $0x1  }
0x16d: {  	s25 =	simm.s32 $0xB;
	[sflag:s24] =	ssyncpa.u1 $0x1  }
0x16e: {  	s26 =	simm.s32 $0x2;
	[sflag:s25] =	ssyncpa.u1 $0x1  }
0x16f: {  	[sflag:s26] =	ssyncpa.u1 $0x1  }
0x170: {  	v0 =	vld [tilespmem:$0xE408];
	_ =	sdelay $0x4  }
0x171: {  	(v2sf) =	vpush v0, $0x0  }
0x172: {  	(v2sf) =	vpush v0, $0x1;
	_ =	sdelay $0x1  }
0x173: {  	(v2sf) =	vpush v0, $0x2;
	_ =	sdelay $0xb  }
0x174: {  	s0 =	spop (v2sf)  }
0x175: {  	s2 =	spop (v2sf)  }
0x176: {  	s3 =	smov.u32 s0;
	p0 =	sne.s32 s0, s2  }
0x177: {  	s4 =	spop (v2sf);
	s3 =	simm.s32 @!p0 $0xFFFFFFFF  }
0x178: {  	v2 =	vimm.s32 $0x1;
	v3 =	vlaneseq.u32;
	p0 =	seq.s32 s4, $0xFFFFFFFF;
	v1 =	vmov s3  }
0x179: {  	s15 =	stileid.u32;
	v0 =	vperm.xlane v0, v2;
	p1 =	sne.s32 @!p0 s0, s2;
	v1 =	vperm.xlane v1, v3  }
0x17a: {  	vm0 =	vcmask $0x3F04;
	s6 =	simm.s32 $0xE408;
	s0 =	simm.s32 @!p0 $0x1;
	p1 =	por !p1, p0  }
0x17b: {  	s3 =	sshll.u32 s15, $0x1;
	s2 =	sshll.u32 @!p0 s4, $0xA;
	s0 =	simm.s32 @p1 $0x0;
	v0 =	vsel vm0, v1, v0  }
0x17c: {  	s5 =	sor.u32 $0x2000, s3;
	s2 =	sshra.s32 @!p0 s2, $0x2;
	s0 =	sor.u32 @!p0 s0, s3;
	[tilespmem:$0xE408] =	vst v0  }
0x17d: {  	[spmem:s5] =	stream.linear.scatter [tilespmem:s6], [sflag:$0x1], $0x2, $0x38;
	[tilespmem:$0x1E678] =	vst v63  }
0x17e: {  	s2 =	sadd.s32 @!p0 $0x208, s2;
	s0 =	sshll.u32 @!p0 s0, $0x8  }
0x17f: {  	[spmem:s0] =	stream.linear.scatter @!p0 [tilespmem:s2], [sflag:$0x1], $0x100, $0x38;
	[tilespmem:$0x1E678] =	vst v63  }
0x180: {  	s0 =	simm.s32 @!p0 $0x102  }
0x181: {  	s28 =	simm.s32 $0x1;
	s0 =	simm.s32 @p0 $0x2  }
0x182: {  	_ =	swait.ge [sflag:s28], s0  }
0x183: {  	s0 =	ssub.s32 $0x0, s0;
	[sflag:s28] =	ssyncset.done $0x0  }
0x184: {  	p0 =	sne.s32 s15, $0x0;
	[sflag:s28] =	ssyncadd.s32 s0  }
.Ltmp23:
0x185: {  	_ =	sfence.stream.spmem;
	(pc) =	sbr.rel @p0 .LBB2_45-.Ltmp23, $4  }
0x186: {  	s29 =	simm.s32 $0x3;
	[bflag:$0x0] =	sbarrier.arrive $0xFFFF  }
0x187: {  	s30 =	simm.s32 $0x4;
	[sflag:s29] =	ssyncpa.u1 $0x1  }
0x188: {  	s31 =	simm.s32 $0x3C;
	[sflag:s30] =	ssyncpa.u1 $0x1  }
0x189: {  	s14 =	rddreg [dreg:$0x4];
	[sflag:s31] =	ssyncpa.u1 $0x1  }
0x18a: {  	_ =	sfence.stream.spmem;
	s0 =	simm.s32 $0x5  }
0x18b: {  	s2 =	simm.s32 $0x2000;
	s3 =	simm.s32 $0xE418;
	[sflag:s0] =	ssyncpa.u1 $0x0  }
0x18c: {  	[tilespmem:s3], [sflag:$0x5] =	stream.linear.gather [spmem:s2], $0x20, $0x38;
	[tilespmem:$0x1E678] =	vst v63  }
0x18d: {  	s26 =	simm.s32 $0x0;
	s28 =	simm.s32 $0xE438  }
0x18e: {  	[tilespmem:s28], [sflag:$0x5] =	stream.linear.gather [spmem:s26], $0x2000, $0x38;
	[tilespmem:$0x1E678] =	vst v63  }
0x18f: {  	_ =	swait.ge [sflag:s0], $0x2020  }
0x190: {  	[sflag:s0] =	ssyncset.done $0x0  }
0x191: {  	s29 =	simm.s32 $0x0;
	[sflag:s0] =	ssyncadd.s32 $0xFFFFDFE0  }
0x192: {  	v0 =	vld.msk [tilespmem:s29+$0xE418], $0x1;
	_ =	sdelay $0x1  }
0x193: {  	s30 =	simm.s32 $0x1  }
0x194: {  	v1 =	vld.msk [tilespmem:s30+$0xE418], $0x1;
	_ =	sdelay $0x1  }
0x195: {  	(v2sf) =	vpush v0, $0x0;
	_ =	sdelay $0x2  }
0x196: {  	(v2sf) =	vpush v1, $0x0;
	_ =	sdelay $0x2  }
0x197: {  	s31 =	simm.s32 $0x2  }
0x198: {  	v0 =	vld.msk [tilespmem:s31+$0xE418], $0x1;
	_ =	sdelay $0x2  }
0x199: {  	s2 =	simm.s32 $0xFFFFFFFF;
	s3 =	simm.s32 $0xFFFFFFFF;
	s0 =	simm.s32 $0xC  }
.LBB2_30:
0x19a: {  	s4 =	smov.u32 s3;
	s5 =	smov.u32 s2  }
0x19b: {  	s2 =	sshra.s32 s0, $0x2;
	p1 =	sne.s32 s0, $0x7C;
	s0 =	sadd.s32 $0x4, s0;
	(v2sf) =	vpush v0, $0x0  }
0x19c: {  	v0 =	vld.msk [tilespmem:s2+$0xE418], $0x1  }
.Ltmp24:
0x19d: {  	(pc) =	sbr.rel @p1 .LBB2_30-.Ltmp24, $4  }
0x19e: {  	s3 =	spop (v2sf)  }
0x19f: {  	p2 =	sne.s32 s5, $0xFFFFFFFF;
	s2 =	smov.u32 s3  }
0x1a0: {  	p3 =	seq.s32 s3, $0xFFFFFFFF;
	s2 =	smov.u32 @p2 s5  }
0x1a1: {  	s3 =	smov.u32 @p3 s4;
	s2 =	smov.u32 @p3 s5  }
0x1a2: {  	(v2sf) =	vpush v0, $0x0;
	_ =	sdelay $0x8  }
0x1a3: {  	s0 =	spop (v2sf)  }
0x1a4: {  	p1 =	sne.s32 s2, $0xFFFFFFFF;
	s9 =	simm.s32 $0x6;
	s4 =	smov.u32 s0  }
0x1a5: {  	s6 =	simm.s32 $0x0;
	p2 =	seq.s32 s0, $0xFFFFFFFF;
	s4 =	smov.u32 @p1 s2  }
0x1a6: {  	s10 =	simm.s32 $0xE308;
	s4 =	smov.u32 @p2 s2;
	s2 =	spop (v2sf)  }
0x1a7: {  	s0 =	smov.u32 @p2 s3;
	p1 =	sne.s32 s4, $0xFFFFFFFF;
	s5 =	smov.u32 s2  }
.Ltmp25:
0x1a8: {  	p2 =	seq.s32 s2, $0xFFFFFFFF;
	s5 =	smov.u32 @p1 s4;
	(pc) =	sbr.rel .LBB2_32-.Ltmp25, $4  }
0x1a9: {  	s11 =	simm.s32 $0xE388;
	s5 =	smov.u32 @p2 s4;
	s7 =	spop (v2sf)  }
0x1aa: {  	s12 =	simm.s32 $0x0;
	p1 =	sne.s32 s5, $0xFFFFFFFF;
	s8 =	smov.u32 s7  }
0x1ab: {  	s2 =	smov.u32 @p2 s0;
	p2 =	seq.s32 s7, $0xFFFFFFFF;
	s8 =	smov.u32 @p1 s5  }
0x1ac: {  	[sflag:s9] =	ssyncpa.u1 $0x0;
	s7 =	smov.u32 @p2 s2;
	s8 =	smov.u32 @p2 s5  }
.LBB2_38:
0x1ad: {  	p1 =	sgt.u32 s0, $0x4FF70  }
0x1ae: {  	p2 =	seq.s32 @!p1 s0, s8  }
0x1af: {  	p1 =	por p1, p2  }
0x1b0: {  	p2 =	sne.s32 @!p1 s0, s7  }
0x1b1: {  	p1 =	por p1, !p2  }
0x1b2: {  	s0 =	sshll.u32 @p1 s12, $0xA  }
0x1b3: {  	s2 =	sand.u32 @!p1 $0x7FFF8, s0;
	s3 =	sand.u32 @!p1 $0x7, s0;
	s0 =	sadd.s32 @!p1 $0x80, s0  }
0x1b4: {  	s2 =	sadd.s32 @!p1 s1, s2;
	s0 =	sand.u32 @!p1 $0xFFFF8, s0  }
0x1b5: {  	[tilespmem:s10], [sflag:$0x6] =	stream.linear.gather @!p1 [hbm4b:s2+s3], $0x80, $0x38;
	[tilespmem:$0x1E678] =	vst v63  }
0x1b6: {  	s0 =	sadd.s32 @!p1 s1, s0  }
0x1b7: {  	[tilespmem:s11], [sflag:$0x6] =	stream.linear.gather @!p1 [hbm4b:s0+s3], $0x80, $0x38;
	[tilespmem:$0x1E678] =	vst v63  }
0x1b8: {  	_ =	swait.ge @!p1 [sflag:s9], $0x100  }
0x1b9: {  	[sflag:s9] =	ssyncset.done @!p1 $0x0  }
0x1ba: {  	[sflag:s9] =	ssyncadd.s32 @!p1 $0xFFFFFF00  }
0x1bb: {  	v1 =	vld @!p1 [tilespmem:$0xE308];
	_ =	sdelay $0x2  }
0x1bc: {  	s0 =	sshll.u32 @!p1 s12, $0xA  }
0x1bd: {  	s2 =	sshrl.u32 @!p1 s0, $0x2  }
0x1be: {  	[tilespmem:s2+$0xE438] =	vst.add.f32.msk @!p1 $0xffff, v1  }
0x1bf: {  	v1 =	vld @!p1 [tilespmem:$0xE318];
	_ =	sdelay $0x4  }
0x1c0: {  	[tilespmem:s2+$0xE448] =	vst.add.f32.msk @!p1 $0xffff, v1  }
0x1c1: {  	v1 =	vld @!p1 [tilespmem:$0xE328];
	_ =	sdelay $0x4  }
0x1c2: {  	[tilespmem:s2+$0xE458] =	vst.add.f32.msk @!p1 $0xffff, v1  }
0x1c3: {  	v1 =	vld @!p1 [tilespmem:$0xE338];
	_ =	sdelay $0x4  }
0x1c4: {  	[tilespmem:s2+$0xE468] =	vst.add.f32.msk @!p1 $0xffff, v1  }
0x1c5: {  	v1 =	vld @!p1 [tilespmem:$0xE348];
	_ =	sdelay $0x4  }
0x1c6: {  	[tilespmem:s2+$0xE478] =	vst.add.f32.msk @!p1 $0xffff, v1  }
0x1c7: {  	v1 =	vld @!p1 [tilespmem:$0xE358];
	_ =	sdelay $0x4  }
0x1c8: {  	[tilespmem:s2+$0xE488] =	vst.add.f32.msk @!p1 $0xffff, v1  }
0x1c9: {  	v1 =	vld @!p1 [tilespmem:$0xE368];
	_ =	sdelay $0x4  }
0x1ca: {  	[tilespmem:s2+$0xE498] =	vst.add.f32.msk @!p1 $0xffff, v1  }
0x1cb: {  	v1 =	vld @!p1 [tilespmem:$0xE378];
	_ =	sdelay $0x4  }
0x1cc: {  	[tilespmem:s2+$0xE4A8] =	vst.add.f32.msk @!p1 $0xffff, v1  }
0x1cd: {  	v1 =	vld @!p1 [tilespmem:$0xE388];
	_ =	sdelay $0x4  }
0x1ce: {  	[tilespmem:s2+$0xE4B8] =	vst.add.f32.msk @!p1 $0xffff, v1  }
0x1cf: {  	v1 =	vld @!p1 [tilespmem:$0xE398];
	_ =	sdelay $0x4  }
0x1d0: {  	[tilespmem:s2+$0xE4C8] =	vst.add.f32.msk @!p1 $0xffff, v1  }
0x1d1: {  	v1 =	vld @!p1 [tilespmem:$0xE3A8];
	_ =	sdelay $0x4  }
0x1d2: {  	[tilespmem:s2+$0xE4D8] =	vst.add.f32.msk @!p1 $0xffff, v1  }
0x1d3: {  	v1 =	vld @!p1 [tilespmem:$0xE3B8];
	_ =	sdelay $0x4  }
0x1d4: {  	[tilespmem:s2+$0xE4E8] =	vst.add.f32.msk @!p1 $0xffff, v1  }
0x1d5: {  	v1 =	vld @!p1 [tilespmem:$0xE3C8];
	_ =	sdelay $0x4  }
0x1d6: {  	[tilespmem:s2+$0xE4F8] =	vst.add.f32.msk @!p1 $0xffff, v1  }
0x1d7: {  	v1 =	vld @!p1 [tilespmem:$0xE3D8];
	_ =	sdelay $0x4  }
0x1d8: {  	[tilespmem:s2+$0xE508] =	vst.add.f32.msk @!p1 $0xffff, v1  }
0x1d9: {  	v1 =	vld @!p1 [tilespmem:$0xE3E8];
	_ =	sdelay $0x4  }
0x1da: {  	[tilespmem:s2+$0xE518] =	vst.add.f32.msk @!p1 $0xffff, v1  }
0x1db: {  	v1 =	vld @!p1 [tilespmem:$0xE3F8];
	_ =	sdelay $0x4  }
0x1dc: {  	[tilespmem:s2+$0xE528] =	vst.add.f32.msk @!p1 $0xffff, v1  }
0x1dd: {  	s0 =	sshrl.u32 s0, $0x2;
	[tilespmem:s6+$0xE418] =	vst.msk $0x1, v0  }
0x1de: {  	v0 =	vld [tilespmem:s0+$0xE438];
	_ =	sdelay $0x2  }
0x1df: {  	s31 =	sshll.u32 s6, $0xA  }
0x1e0: {  	s2 =	sshra.s32 s31, $0x2  }
0x1e1: {  	[tilespmem:s2+$0xE438] =	vst v0  }
0x1e2: {  	v0 =	vld [tilespmem:s0+$0xE448];
	_ =	sdelay $0x4  }
0x1e3: {  	[tilespmem:s2+$0xE448] =	vst v0  }
0x1e4: {  	v0 =	vld [tilespmem:s0+$0xE458];
	_ =	sdelay $0x4  }
0x1e5: {  	[tilespmem:s2+$0xE458] =	vst v0  }
0x1e6: {  	v0 =	vld [tilespmem:s0+$0xE468];
	_ =	sdelay $0x4  }
0x1e7: {  	[tilespmem:s2+$0xE468] =	vst v0  }
0x1e8: {  	v0 =	vld [tilespmem:s0+$0xE478];
	_ =	sdelay $0x4  }
0x1e9: {  	[tilespmem:s2+$0xE478] =	vst v0  }
0x1ea: {  	v0 =	vld [tilespmem:s0+$0xE488];
	_ =	sdelay $0x4  }
0x1eb: {  	[tilespmem:s2+$0xE488] =	vst v0  }
0x1ec: {  	v0 =	vld [tilespmem:s0+$0xE498];
	_ =	sdelay $0x4  }
0x1ed: {  	[tilespmem:s2+$0xE498] =	vst v0  }
0x1ee: {  	v0 =	vld [tilespmem:s0+$0xE4A8];
	_ =	sdelay $0x4  }
0x1ef: {  	[tilespmem:s2+$0xE4A8] =	vst v0  }
0x1f0: {  	v0 =	vld [tilespmem:s0+$0xE4B8];
	_ =	sdelay $0x4  }
0x1f1: {  	[tilespmem:s2+$0xE4B8] =	vst v0  }
0x1f2: {  	v0 =	vld [tilespmem:s0+$0xE4C8];
	_ =	sdelay $0x4  }
0x1f3: {  	[tilespmem:s2+$0xE4C8] =	vst v0  }
0x1f4: {  	v0 =	vld [tilespmem:s0+$0xE4D8];
	_ =	sdelay $0x4  }
0x1f5: {  	[tilespmem:s2+$0xE4D8] =	vst v0  }
0x1f6: {  	v0 =	vld [tilespmem:s0+$0xE4E8];
	_ =	sdelay $0x4  }
0x1f7: {  	[tilespmem:s2+$0xE4E8] =	vst v0  }
0x1f8: {  	v0 =	vld [tilespmem:s0+$0xE4F8];
	_ =	sdelay $0x4  }
0x1f9: {  	[tilespmem:s2+$0xE4F8] =	vst v0  }
0x1fa: {  	v0 =	vld [tilespmem:s0+$0xE508];
	_ =	sdelay $0x4  }
0x1fb: {  	[tilespmem:s2+$0xE508] =	vst v0  }
0x1fc: {  	v0 =	vld [tilespmem:s0+$0xE518];
	_ =	sdelay $0x4  }
0x1fd: {  	[tilespmem:s2+$0xE518] =	vst v0  }
0x1fe: {  	v0 =	vld [tilespmem:s0+$0xE528];
	_ =	sdelay $0x4  }
0x1ff: {  	s6 =	sadd.s32 $0x1, s6;
	[tilespmem:s2+$0xE528] =	vst v0  }
.LBB2_39:
0x200: {  	s12 =	sadd.s32 $0x1, s12  }
0x201: {  	p1 =	sne.s32 s12, $0x20  }
.Ltmp26:
0x202: {  	_ = 	snop;
	(pc) =	sbr.rel @!p1 .LBB2_40-.Ltmp26, $1  }
0x203: {  	_ =	sdelay $0x3  }
.LBB2_32:
0x204: {  	v0 =	vld.msk [tilespmem:s12+$0xE418], $0x1;
	_ =	sdelay $0x4  }
0x205: {  	(v2sf) =	vpush v0, $0x0;
	_ =	sdelay $0xe  }
0x206: {  	s0 =	spop (v2sf)  }
0x207: {  	p1 =	seq.s32 s0, $0xFFFFFFFF  }
.Ltmp27:
0x208: {  	_ = 	snop;
	(pc) =	sbr.rel @p1 .LBB2_39-.Ltmp27, $1  }
0x209: {  	_ =	sdelay $0x3  }
0x20a: {  	p1 =	slt.s32 s6, $0x1  }
.Ltmp28:
0x20b: {  	_ = 	snop;
	(pc) =	sbr.rel @p1 .LBB2_38-.Ltmp28, $1  }
0x20c: {  	_ =	sdelay $0x3  }
0x20d: {  	s4 =	simm.s32 $0xE418;
	p1 =	por $0x0, $0x0  }
0x20e: {  	v1 =	vld.msk @!p1 [tilespmem:s4+$0x0], $0x1;
	_ =	sdelay $0x4  }
0x20f: {  	(v2sf) =	vpush @!p1 v1, $0x0;
	_ =	sdelay $0xd  }
0x210: {  	p3 =	sne.s32 s6, $0x1  }
.Ltmp29:
0x211: {  	s2 =	spop @!p1 (v2sf);
	(pc) =	sbr.rel @!p3 .LBB2_36-.Ltmp29, $4  }
0x212: {  	p2 =	seq.s32 @!p1 s0, s2  }
0x213: {  	s5 =	simm.s32 $0x0;
	p2 =	por !p2, p1  }
0x214: {  	s2 =	simm.s32 $0xFFFFFFFF;
	s5 =	simm.s32 @p2 $0xFFFFFFFF  }
0x215: {  	s13 =	simm.s32 $0x1;
	s5 =	smov.u32 @p1 s2  }
.LBB2_35:
0x216: {  	s2 =	smov.u32 s5;
	p1 =	sne.s32 s5, $0xFFFFFFFF  }
0x217: {  	s4 =	sadd.s32 $0x1, s4;
	s5 =	smov.u32 s13;
	s13 =	sadd.s32 $0x1, s13  }
0x218: {  	p2 =	sne.s32 s6, s13;
	v1 =	vld.msk @!p1 [tilespmem:s4+$0x0], $0x1;
	_ =	sdelay $0x4  }
0x219: {  	(v2sf) =	vpush @!p1 v1, $0x0;
	_ =	sdelay $0xe  }
.Ltmp30:
0x21a: {  	s3 =	spop @!p1 (v2sf);
	(pc) =	sbr.rel @p2 .LBB2_35-.Ltmp30, $4  }
0x21b: {  	p3 =	seq.s32 @!p1 s0, s3  }
0x21c: {  	p3 =	por !p3, p1  }
0x21d: {  	s5 =	simm.s32 @p3 $0xFFFFFFFF  }
0x21e: {  	s5 =	smov.u32 @p1 s2  }
.LBB2_36:
0x21f: {  	p1 =	seq.s32 s5, $0xFFFFFFFF  }
.Ltmp31:
0x220: {  	_ = 	snop;
	(pc) =	sbr.rel @p1 .LBB2_38-.Ltmp31, $1  }
0x221: {  	_ =	sdelay $0x3  }
0x222: {  	s0 =	sshll.u32 s12, $0x8  }
0x223: {  	s0 =	sand.u32 $0x3FFFFF00, s0  }
0x224: {  	v0 =	vld [tilespmem:s0+$0xE438];
	_ =	sdelay $0x2  }
0x225: {  	s2 =	sshll.u32 s5, $0xA  }
0x226: {  	s2 =	sshra.s32 s2, $0x2  }
0x227: {  	[tilespmem:s2+$0xE438] =	vst.add.f32.msk $0xffff, v0  }
0x228: {  	v0 =	vld [tilespmem:s0+$0xE448];
	_ =	sdelay $0x4  }
0x229: {  	[tilespmem:s2+$0xE448] =	vst.add.f32.msk $0xffff, v0  }
0x22a: {  	v0 =	vld [tilespmem:s0+$0xE458];
	_ =	sdelay $0x4  }
0x22b: {  	[tilespmem:s2+$0xE458] =	vst.add.f32.msk $0xffff, v0  }
0x22c: {  	v0 =	vld [tilespmem:s0+$0xE468];
	_ =	sdelay $0x4  }
0x22d: {  	[tilespmem:s2+$0xE468] =	vst.add.f32.msk $0xffff, v0  }
0x22e: {  	v0 =	vld [tilespmem:s0+$0xE478];
	_ =	sdelay $0x4  }
0x22f: {  	[tilespmem:s2+$0xE478] =	vst.add.f32.msk $0xffff, v0  }
0x230: {  	v0 =	vld [tilespmem:s0+$0xE488];
	_ =	sdelay $0x4  }
0x231: {  	[tilespmem:s2+$0xE488] =	vst.add.f32.msk $0xffff, v0  }
0x232: {  	v0 =	vld [tilespmem:s0+$0xE498];
	_ =	sdelay $0x4  }
0x233: {  	[tilespmem:s2+$0xE498] =	vst.add.f32.msk $0xffff, v0  }
0x234: {  	v0 =	vld [tilespmem:s0+$0xE4A8];
	_ =	sdelay $0x4  }
0x235: {  	[tilespmem:s2+$0xE4A8] =	vst.add.f32.msk $0xffff, v0  }
0x236: {  	v0 =	vld [tilespmem:s0+$0xE4B8];
	_ =	sdelay $0x4  }
0x237: {  	[tilespmem:s2+$0xE4B8] =	vst.add.f32.msk $0xffff, v0  }
0x238: {  	v0 =	vld [tilespmem:s0+$0xE4C8];
	_ =	sdelay $0x4  }
0x239: {  	[tilespmem:s2+$0xE4C8] =	vst.add.f32.msk $0xffff, v0  }
0x23a: {  	v0 =	vld [tilespmem:s0+$0xE4D8];
	_ =	sdelay $0x4  }
0x23b: {  	[tilespmem:s2+$0xE4D8] =	vst.add.f32.msk $0xffff, v0  }
0x23c: {  	v0 =	vld [tilespmem:s0+$0xE4E8];
	_ =	sdelay $0x4  }
0x23d: {  	[tilespmem:s2+$0xE4E8] =	vst.add.f32.msk $0xffff, v0  }
0x23e: {  	v0 =	vld [tilespmem:s0+$0xE4F8];
	_ =	sdelay $0x4  }
0x23f: {  	[tilespmem:s2+$0xE4F8] =	vst.add.f32.msk $0xffff, v0  }
0x240: {  	v0 =	vld [tilespmem:s0+$0xE508];
	_ =	sdelay $0x4  }
0x241: {  	[tilespmem:s2+$0xE508] =	vst.add.f32.msk $0xffff, v0  }
0x242: {  	v0 =	vld [tilespmem:s0+$0xE518];
	_ =	sdelay $0x4  }
0x243: {  	[tilespmem:s2+$0xE518] =	vst.add.f32.msk $0xffff, v0  }
0x244: {  	v0 =	vld [tilespmem:s0+$0xE528]  }
.Ltmp32:
0x245: {  	_ = 	snop;
	(pc) =	sbr.rel .LBB2_39-.Ltmp32, $2  }
0x246: {  	_ =	sdelay $0x2  }
0x247: {  	[tilespmem:s2+$0xE528] =	vst.add.f32.msk $0xffff, v0  }
.LBB2_40:
0x248: {  	s0 =	simm.s32 $0x6;
	p1 =	seq.s32 s6, $0x0  }
0x249: {  	[sflag:s0] =	ssyncpa.u1 $0x1;
	v0 =	vimm.s32 @p1 $0xFFFFFFFF  }
0x24a: {  	s0 =	sadd.s32 $0xFFFFFFFF, s6;
	[tilespmem:$0x10438] =	vst @p1 v0  }
0x24b: {  	v0 =	vld.msk @!p1 [tilespmem:s0+$0xE418], $0x1;
	_ =	sdelay $0x1  }
0x24c: {  	v1 =	vld.msk @!p1 [tilespmem:$0xE418], $0x1;
	_ =	sdelay $0x2  }
0x24d: {  	p2 =	seq.s32 @!p1 s0, $0x0;
	v0 =	vbroadcast @!p1 v0, $0x0  }
0x24e: {  	vm0 =	vmmov @!p1 $0x1;
	p2 =	por !p2, p1  }
0x24f: {  	v1 =	vnsel @!p1 vm0, $0xFFFFFFFF, v1;
	vm0 =	vcmask @!p1 $0x308;
	v0 =	vpsel !p2, $0xFFFFFFFF, v0  }
0x250: {  	p2 =	sne.s32 @!p1 s8, s7;
	v0 =	vsel @!p1 vm0, v1, v0  }
0x251: {  	s2 =	simm.s32 @!p1 $0xE438;
	s3 =	simm.s32 @!p1 $0x0;
	p3 =	por !p2, p1;
	[tilespmem:$0x10438] =	vst @!p1 v0  }
0x252: {  	[spmem:s3] =	stream.linear.scatter @!p1 [tilespmem:s2], [sflag:$0x1], $0x100, $0x38;
	[tilespmem:$0x1E678] =	vst v63  }
0x253: {  	s2 =	sshll.u32 @!p3 s0, $0xA  }
0x254: {  	s2 =	sshra.s32 @!p3 s2, $0x2  }
0x255: {  	s3 =	simm.s32 @!p3 $0x100;
	s2 =	sadd.s32 @!p3 $0xE438, s2  }
0x256: {  	[spmem:s3] =	stream.linear.scatter @!p3 [tilespmem:s2], [sflag:$0x1], $0x100, $0x38;
	[tilespmem:$0x1E678] =	vst v63  }
0x257: {  	s2 =	simm.s32 @!p3 $0x1  }
0x258: {  	_ =	swait.ge @!p3 [sflag:s2], $0x200  }
0x259: {  	p1 =	por p2, p1;
	[sflag:s2] =	ssyncset.done @!p3 $0x0  }
0x25a: {  	[sflag:s2] =	ssyncadd.s32 @!p3 $0xFFFFFE00;
	s2 =	simm.s32 @!p1 $0x1  }
0x25b: {  	_ =	swait.ge @!p1 [sflag:s2], $0x100  }
0x25c: {  	s29 =	simm.s32 $0x10438;
	[sflag:s2] =	ssyncset.done @!p1 $0x0  }
0x25d: {  	s30 =	simm.s32 $0x2000;
	s31 =	simm.s32 $0x1;
	[sflag:s2] =	ssyncadd.s32 @!p1 $0xFFFFFF00  }
0x25e: {  	[spmem:s30] =	stream.linear.scatter [tilespmem:s29], [sflag:$0x1], $0x10, $0x38;
	[tilespmem:$0x1E678] =	vst v63  }
0x25f: {  	_ =	swait.ge [sflag:s31], $0x10  }
0x260: {  	[sflag:s31] =	ssyncset.done $0x0  }
0x261: {  	p1 =	seq.s32 s14, $0x0;
	s9 =	rddreg [dreg:$0x1];
	[sflag:s31] =	ssyncadd.s32 $0xFFFFFFF0  }
0x262: {  	s3 =	sshll.u32 @p1 s9, $0xE;
	s8 =	rddreg [dreg:$0x2]  }
0x263: {  	s2 =	sadd.s32 @p1 $0x15C3C, s3;
	s3 =	sshll.u32 @p1 s8, $0x11  }
0x264: {  	_ =	sfence.stream.spmem;
	s2 =	sor.u32 @p1 s3, s2  }
0x265: {  	[sflag:s2] =	ssyncadd.remote.s32 @p1 $0x1;
	s2 =	simm.s32 @p1 $0x4  }
0x266: {  	s4 =	simm.s32 @!p1 $0x3C;
	s3 =	sand.u32 $0xFFFFFFFE, s9;
	_ =	swait.ge @p1 [sflag:s2], $0x42  }
0x267: {  	s5 =	simm.s32 @!p1 $0x0;
	s3 =	sadd.s32 @!p1 $0x4, s3;
	[sflag:s2] =	ssyncset.done @p1 $0x0  }
0x268: {  	s7 =	simm.s32 @!p1 $0x200;
	[sflag:s2] =	ssyncadd.s32 @p1 $0xFFFFFFBE;
	s2 =	sshll.u32 @!p1 s3, $0x1A  }
0x269: {  	s3 =	sshll.u32 @!p1 s3, $0xD;
	s2 =	sor.u32 @!p1 s2, s8;
	_ =	swait.eq @!p1 [sflag:s4], $0x1  }
0x26a: {  	s3 =	sor.u32 @!p1 $0x1C04, s3;
	s4 =	simm.s32 @!p1 $0x1C03;
	s2 =	sor.u32 @!p1 $0x80004000, s2  }
0x26b: {  	[spmem:s7], [sflag:s3] =	dma.general @!p1 [spmem:s5], [sflag:s4], length:$0x40, [dreg:$0x0], stride_count:$0x0, ici_dest:s2, dma_misc:DstOpCode:WRITE  }
0x26c: {  	p2 =	slt.s32 s0, $0x2;
	s5 =	simm.s32 @!p1 $0x400;
	s7 =	simm.s32 @!p1 $0x402  }
0x26d: {  	[spmem:s7], [sflag:s3] =	dma.general @!p1 [spmem:s5], [sflag:s4], length:$0x2, [dreg:$0x0], stride_count:$0x0, ici_dest:s2, dma_misc:DstOpCode:WRITE  }
.Ltmp33:
0x26e: {  	s2 =	simm.s32 @!p1 $0x3;
	(pc) =	sbr.rel @p2 .LBB2_44-.Ltmp33, $4  }
0x26f: {  	s3 =	sshll.u32 @!p1 s9, $0xE;
	_ =	swait.ge @!p1 [sflag:s2], $0x42  }
0x270: {  	s4 =	sshll.u32 @!p1 s8, $0x11;
	s3 =	sadd.s32 @!p1 $0x11C3C, s3;
	[sflag:s2] =	ssyncset.done @!p1 $0x0  }
0x271: {  	[sflag:s2] =	ssyncadd.s32 @!p1 $0xFFFFFFBE;
	s2 =	sor.u32 @!p1 s4, s3  }
0x272: {  	s0 =	simm.s32 $0x0;
	[sflag:s2] =	ssyncadd.remote.s32 @!p1 $0xFFFFFFFF  }
0x273: {  	s0 =	simm.s32 $0xE419  }
0x274: {  	v0 =	vld.msk [tilespmem:s0+$0x0], $0x1;
	_ =	sdelay $0x4  }
0x275: {  	(v2sf) =	vpush v0, $0x0;
	_ =	sdelay $0xd  }
0x276: {  	s31 =	sadd.s32 $0xFFFFFFFE, s6  }
0x277: {  	s6 =	simm.s32 $0x0;
	s0 =	sadd.s32 $0xFFFFFFFF, s31;
	s2 =	spop (v2sf)  }
0x278: {  	s3 =	simm.s32 $0xE538;
	p1 =	sne.s32 s0, $0x0;
	p2 =	sgt.u32 s2, $0x4FF70  }
.Ltmp34:
0x279: {  	s4 =	simm.s32 $0xE638;
	s5 =	sand.u32 @!p2 $0x7FFF8, s2;
	(pc) =	sbr.rel @!p1 .LBB2_43-.Ltmp34, $4  }
0x27a: {  	s7 =	sadd.s32 @!p2 $0x80, s2;
	s2 =	sand.u32 @!p2 $0x7, s2;
	s6 =	simm.s32 @!p2 $0x400  }
0x27b: {  	s5 =	sadd.s32 @!p2 s1, s5;
	s7 =	sand.u32 @!p2 $0xFFFF8, s7;
	s6 =	sadd.s32 $0x0, s6  }
0x27c: {  	[hbm4b:s5+s2] =	stream.linear.scatter @!p2 [tilespmem:s3], [sflag:$0x5], $0x80, $0x38;
	[tilespmem:$0x1E678] =	vst v63  }
0x27d: {  	s5 =	simm.s32 $0xE41A;
	s3 =	simm.s32 @!p2 $0xE5B8;
	s7 =	sadd.s32 @!p2 s1, s7  }
.LBB2_42:
0x27e: {  	[hbm4b:s7+s2] =	stream.linear.scatter @!p2 [tilespmem:s3], [sflag:$0x5], $0x80, $0x38;
	[tilespmem:$0x1E678] =	vst v63  }
0x27f: {  	s0 =	sadd.s32 $0xFFFFFFFF, s0;
	s3 =	smov.u32 s4;
	v0 =	vld.msk [tilespmem:s5+$0x0], $0x1  }
0x280: {  	p1 =	sne.s32 s0, $0x0;
	_ =	sdelay $0x3  }
0x281: {  	(v2sf) =	vpush v0, $0x0;
	_ =	sdelay $0xe  }
0x282: {  	s4 =	sadd.s32 $0x100, s4;
	s8 =	simm.s32 $0x0;
	s2 =	spop (v2sf)  }
.Ltmp35:
0x283: {  	s5 =	sadd.s32 $0x1, s5;
	p2 =	sgt.u32 s2, $0x4FF70;
	(pc) =	sbr.rel @p1 .LBB2_42-.Ltmp35, $4  }
0x284: {  	s8 =	simm.s32 @!p2 $0x400;
	s7 =	sand.u32 @!p2 $0x7FFF8, s2;
	s9 =	sadd.s32 @!p2 $0x80, s2  }
0x285: {  	s2 =	sand.u32 @!p2 $0x7, s2;
	s7 =	sadd.s32 @!p2 s1, s7;
	s9 =	sand.u32 @!p2 $0xFFFF8, s9  }
0x286: {  	[hbm4b:s7+s2] =	stream.linear.scatter @!p2 [tilespmem:s3], [sflag:$0x5], $0x80, $0x38;
	[tilespmem:$0x1E678] =	vst v63  }
0x287: {  	s6 =	sadd.s32 s6, s8;
	s3 =	sadd.s32 @!p2 $0x80, s3;
	s7 =	sadd.s32 @!p2 s1, s9  }
.LBB2_43:
0x288: {  	[hbm4b:s7+s2] =	stream.linear.scatter @!p2 [tilespmem:s3], [sflag:$0x5], $0x80, $0x38;
	[tilespmem:$0x1E678] =	vst v63  }
0x289: {  	s0 =	sshrl.u32 s6, $0x2  }
.LBB2_44:
0x28a: {  	s2 =	simm.s32 $0x5  }
0x28b: {  	_ =	swait.ge [sflag:s2], s0  }
0x28c: {  	s31 =	ssub.s32 $0x0, s0;
	[sflag:s2] =	ssyncset.done $0x0  }
0x28d: {  	[sflag:s2] =	ssyncadd.s32 s31  }
0x28e: {  	[sflag:s2] =	ssyncpa.u1 $0x1  }
.LBB2_45:
0x28f: {  	s0 =	sor.u32 s14, s15  }
0x290: {  	p1 =	sne.s32 s0, $0x0  }
.Ltmp36:
0x291: {  	_ = 	snop;
	(pc) =	sbr.rel @p1 .LBB2_60-.Ltmp36, $3  }
0x292: {  	_ =	sdelay $0x1  }
0x293: {  	[bflag:$0x0] =	sbarrier.arrive $0xFFFF  }
0x294: {  	_ =	sfence  }
0x295: {  	s0 =	simm.s32 $0x7  }
0x296: {  	s2 =	simm.s32 $0x2000;
	s3 =	simm.s32 $0xE418;
	[sflag:s0] =	ssyncpa.u1 $0x0  }
0x297: {  	[tilespmem:s3], [sflag:$0x7] =	stream.linear.gather [spmem:s2], $0x20, $0x38;
	[tilespmem:$0x1E678] =	vst v63  }
0x298: {  	s30 =	simm.s32 $0xE438;
	s2 =	simm.s32 $0x0  }
0x299: {  	[tilespmem:s30], [sflag:$0x7] =	stream.linear.gather [spmem:s2], $0x2000, $0x38;
	[tilespmem:$0x1E678] =	vst v63  }
.Ltmp37:
0x29a: {  	_ = 	snop;
	(pc) =	sbr.rel .LBB2_47-.Ltmp37, $4  }
0x29b: {  	_ =	swait.ge [sflag:s0], $0x2020  }
0x29c: {  	[sflag:s0] =	ssyncset.done $0x0  }
0x29d: {  	s31 =	simm.s32 $0x8;
	[sflag:s0] =	ssyncadd.s32 $0xFFFFDFE0  }
0x29e: {  	s3 =	simm.s32 $0x0;
	[sflag:s31] =	ssyncpa.u1 $0x0  }
.LBB2_53:
0x29f: {  	p1 =	slt.u32 s0, $0x4FF71  }
0x2a0: {  	s4 =	sand.u32 @p1 $0x7FFF8, s0;
	s5 =	sand.u32 @p1 $0x7, s0;
	s0 =	sadd.s32 @p1 $0x80, s0  }
0x2a1: {  	s6 =	simm.s32 @p1 $0xE308;
	s4 =	sadd.s32 @p1 s1, s4;
	s0 =	sand.u32 @p1 $0xFFFF8, s0  }
0x2a2: {  	[tilespmem:s6], [sflag:$0x8] =	stream.linear.gather @p1 [hbm4b:s4+s5], $0x80, $0x38;
	[tilespmem:$0x1E678] =	vst v63  }
0x2a3: {  	s0 =	sadd.s32 @p1 s1, s0;
	s4 =	simm.s32 @p1 $0xE388  }
0x2a4: {  	[tilespmem:s4], [sflag:$0x8] =	stream.linear.gather @p1 [hbm4b:s0+s5], $0x80, $0x38;
	[tilespmem:$0x1E678] =	vst v63  }
0x2a5: {  	s0 =	simm.s32 @p1 $0x8  }
0x2a6: {  	_ =	swait.ge @p1 [sflag:s0], $0x100  }
0x2a7: {  	[sflag:s0] =	ssyncset.done @p1 $0x0  }
0x2a8: {  	[sflag:s0] =	ssyncadd.s32 @p1 $0xFFFFFF00  }
0x2a9: {  	v1 =	vld @p1 [tilespmem:$0xE308];
	_ =	sdelay $0x2  }
0x2aa: {  	s0 =	sshll.u32 @p1 s3, $0xA  }
0x2ab: {  	s4 =	sshrl.u32 @p1 s0, $0x2  }
0x2ac: {  	[tilespmem:s4+$0xE438] =	vst.add.f32.msk @p1 $0xffff, v1  }
0x2ad: {  	v1 =	vld @p1 [tilespmem:$0xE318];
	_ =	sdelay $0x4  }
0x2ae: {  	[tilespmem:s4+$0xE448] =	vst.add.f32.msk @p1 $0xffff, v1  }
0x2af: {  	v1 =	vld @p1 [tilespmem:$0xE328];
	_ =	sdelay $0x4  }
0x2b0: {  	[tilespmem:s4+$0xE458] =	vst.add.f32.msk @p1 $0xffff, v1  }
0x2b1: {  	v1 =	vld @p1 [tilespmem:$0xE338];
	_ =	sdelay $0x4  }
0x2b2: {  	[tilespmem:s4+$0xE468] =	vst.add.f32.msk @p1 $0xffff, v1  }
0x2b3: {  	v1 =	vld @p1 [tilespmem:$0xE348];
	_ =	sdelay $0x4  }
0x2b4: {  	[tilespmem:s4+$0xE478] =	vst.add.f32.msk @p1 $0xffff, v1  }
0x2b5: {  	v1 =	vld @p1 [tilespmem:$0xE358];
	_ =	sdelay $0x4  }
0x2b6: {  	[tilespmem:s4+$0xE488] =	vst.add.f32.msk @p1 $0xffff, v1  }
0x2b7: {  	v1 =	vld @p1 [tilespmem:$0xE368];
	_ =	sdelay $0x4  }
0x2b8: {  	[tilespmem:s4+$0xE498] =	vst.add.f32.msk @p1 $0xffff, v1  }
0x2b9: {  	v1 =	vld @p1 [tilespmem:$0xE378];
	_ =	sdelay $0x4  }
0x2ba: {  	[tilespmem:s4+$0xE4A8] =	vst.add.f32.msk @p1 $0xffff, v1  }
0x2bb: {  	v1 =	vld @p1 [tilespmem:$0xE388];
	_ =	sdelay $0x4  }
0x2bc: {  	[tilespmem:s4+$0xE4B8] =	vst.add.f32.msk @p1 $0xffff, v1  }
0x2bd: {  	v1 =	vld @p1 [tilespmem:$0xE398];
	_ =	sdelay $0x4  }
0x2be: {  	[tilespmem:s4+$0xE4C8] =	vst.add.f32.msk @p1 $0xffff, v1  }
0x2bf: {  	v1 =	vld @p1 [tilespmem:$0xE3A8];
	_ =	sdelay $0x4  }
0x2c0: {  	[tilespmem:s4+$0xE4D8] =	vst.add.f32.msk @p1 $0xffff, v1  }
0x2c1: {  	v1 =	vld @p1 [tilespmem:$0xE3B8];
	_ =	sdelay $0x4  }
0x2c2: {  	[tilespmem:s4+$0xE4E8] =	vst.add.f32.msk @p1 $0xffff, v1  }
0x2c3: {  	v1 =	vld @p1 [tilespmem:$0xE3C8];
	_ =	sdelay $0x4  }
0x2c4: {  	[tilespmem:s4+$0xE4F8] =	vst.add.f32.msk @p1 $0xffff, v1  }
0x2c5: {  	v1 =	vld @p1 [tilespmem:$0xE3D8];
	_ =	sdelay $0x4  }
0x2c6: {  	[tilespmem:s4+$0xE508] =	vst.add.f32.msk @p1 $0xffff, v1  }
0x2c7: {  	v1 =	vld @p1 [tilespmem:$0xE3E8];
	_ =	sdelay $0x4  }
0x2c8: {  	[tilespmem:s4+$0xE518] =	vst.add.f32.msk @p1 $0xffff, v1  }
0x2c9: {  	v1 =	vld @p1 [tilespmem:$0xE3F8];
	_ =	sdelay $0x3  }
0x2ca: {  	s5 =	sshll.u32 @!p1 s3, $0xA  }
0x2cb: {  	s5 =	smov.u32 @p1 s0;
	[tilespmem:s4+$0xE528] =	vst.add.f32.msk @p1 $0xffff, v1  }
0x2cc: {  	s0 =	sshrl.u32 s5, $0x2;
	[tilespmem:s2+$0xE418] =	vst.msk $0x1, v0  }
0x2cd: {  	v0 =	vld [tilespmem:s0+$0xE438];
	_ =	sdelay $0x2  }
0x2ce: {  	s31 =	sshll.u32 s2, $0xA  }
0x2cf: {  	s4 =	sshra.s32 s31, $0x2  }
0x2d0: {  	[tilespmem:s4+$0xE438] =	vst v0  }
0x2d1: {  	v0 =	vld [tilespmem:s0+$0xE448];
	_ =	sdelay $0x4  }
0x2d2: {  	[tilespmem:s4+$0xE448] =	vst v0  }
0x2d3: {  	v0 =	vld [tilespmem:s0+$0xE458];
	_ =	sdelay $0x4  }
0x2d4: {  	[tilespmem:s4+$0xE458] =	vst v0  }
0x2d5: {  	v0 =	vld [tilespmem:s0+$0xE468];
	_ =	sdelay $0x4  }
0x2d6: {  	[tilespmem:s4+$0xE468] =	vst v0  }
0x2d7: {  	v0 =	vld [tilespmem:s0+$0xE478];
	_ =	sdelay $0x4  }
0x2d8: {  	[tilespmem:s4+$0xE478] =	vst v0  }
0x2d9: {  	v0 =	vld [tilespmem:s0+$0xE488];
	_ =	sdelay $0x4  }
0x2da: {  	[tilespmem:s4+$0xE488] =	vst v0  }
0x2db: {  	v0 =	vld [tilespmem:s0+$0xE498];
	_ =	sdelay $0x4  }
0x2dc: {  	[tilespmem:s4+$0xE498] =	vst v0  }
0x2dd: {  	v0 =	vld [tilespmem:s0+$0xE4A8];
	_ =	sdelay $0x4  }
0x2de: {  	[tilespmem:s4+$0xE4A8] =	vst v0  }
0x2df: {  	v0 =	vld [tilespmem:s0+$0xE4B8];
	_ =	sdelay $0x4  }
0x2e0: {  	[tilespmem:s4+$0xE4B8] =	vst v0  }
0x2e1: {  	v0 =	vld [tilespmem:s0+$0xE4C8];
	_ =	sdelay $0x4  }
0x2e2: {  	[tilespmem:s4+$0xE4C8] =	vst v0  }
0x2e3: {  	v0 =	vld [tilespmem:s0+$0xE4D8];
	_ =	sdelay $0x4  }
0x2e4: {  	[tilespmem:s4+$0xE4D8] =	vst v0  }
0x2e5: {  	v0 =	vld [tilespmem:s0+$0xE4E8];
	_ =	sdelay $0x4  }
0x2e6: {  	[tilespmem:s4+$0xE4E8] =	vst v0  }
0x2e7: {  	v0 =	vld [tilespmem:s0+$0xE4F8];
	_ =	sdelay $0x4  }
0x2e8: {  	[tilespmem:s4+$0xE4F8] =	vst v0  }
0x2e9: {  	v0 =	vld [tilespmem:s0+$0xE508];
	_ =	sdelay $0x4  }
0x2ea: {  	[tilespmem:s4+$0xE508] =	vst v0  }
0x2eb: {  	v0 =	vld [tilespmem:s0+$0xE518];
	_ =	sdelay $0x4  }
0x2ec: {  	[tilespmem:s4+$0xE518] =	vst v0  }
0x2ed: {  	v0 =	vld [tilespmem:s0+$0xE528];
	_ =	sdelay $0x4  }
0x2ee: {  	s2 =	sadd.s32 $0x1, s2;
	[tilespmem:s4+$0xE528] =	vst v0  }
.LBB2_54:
0x2ef: {  	s3 =	sadd.s32 $0x1, s3  }
0x2f0: {  	p1 =	sne.s32 s3, $0x20  }
.Ltmp38:
0x2f1: {  	_ = 	snop;
	(pc) =	sbr.rel @!p1 .LBB2_55-.Ltmp38, $1  }
0x2f2: {  	_ =	sdelay $0x3  }
.LBB2_47:
0x2f3: {  	v0 =	vld.msk [tilespmem:s3+$0xE418], $0x1;
	_ =	sdelay $0x4  }
0x2f4: {  	(v2sf) =	vpush v0, $0x0;
	_ =	sdelay $0xe  }
0x2f5: {  	s0 =	spop (v2sf)  }
0x2f6: {  	p1 =	seq.s32 s0, $0xFFFFFFFF  }
.Ltmp39:
0x2f7: {  	_ = 	snop;
	(pc) =	sbr.rel @p1 .LBB2_54-.Ltmp39, $1  }
0x2f8: {  	_ =	sdelay $0x3  }
0x2f9: {  	p1 =	slt.s32 s2, $0x1  }
.Ltmp40:
0x2fa: {  	_ = 	snop;
	(pc) =	sbr.rel @p1 .LBB2_53-.Ltmp40, $1  }
0x2fb: {  	_ =	sdelay $0x3  }
0x2fc: {  	s4 =	simm.s32 $0xE418;
	p1 =	por $0x0, $0x0  }
0x2fd: {  	v1 =	vld.msk @!p1 [tilespmem:s4+$0x0], $0x1;
	_ =	sdelay $0x4  }
0x2fe: {  	(v2sf) =	vpush @!p1 v1, $0x0;
	_ =	sdelay $0xd  }
0x2ff: {  	p3 =	sne.s32 s2, $0x1  }
.Ltmp41:
0x300: {  	s5 =	spop @!p1 (v2sf);
	(pc) =	sbr.rel @!p3 .LBB2_51-.Ltmp41, $4  }
0x301: {  	p2 =	seq.s32 @!p1 s0, s5  }
0x302: {  	s5 =	simm.s32 $0x0;
	p2 =	por !p2, p1  }
0x303: {  	s7 =	simm.s32 $0xFFFFFFFF;
	s5 =	simm.s32 @p2 $0xFFFFFFFF  }
0x304: {  	s6 =	simm.s32 $0x1;
	s5 =	smov.u32 @p1 s7  }
.LBB2_50:
0x305: {  	s7 =	smov.u32 s5;
	p1 =	sne.s32 s5, $0xFFFFFFFF  }
0x306: {  	s4 =	sadd.s32 $0x1, s4;
	s5 =	smov.u32 s6;
	s6 =	sadd.s32 $0x1, s6  }
0x307: {  	p2 =	sne.s32 s2, s6;
	v1 =	vld.msk @!p1 [tilespmem:s4+$0x0], $0x1;
	_ =	sdelay $0x4  }
0x308: {  	(v2sf) =	vpush @!p1 v1, $0x0;
	_ =	sdelay $0xe  }
.Ltmp42:
0x309: {  	s8 =	spop @!p1 (v2sf);
	(pc) =	sbr.rel @p2 .LBB2_50-.Ltmp42, $4  }
0x30a: {  	p3 =	seq.s32 @!p1 s0, s8  }
0x30b: {  	p3 =	por !p3, p1  }
0x30c: {  	s5 =	simm.s32 @p3 $0xFFFFFFFF  }
0x30d: {  	s5 =	smov.u32 @p1 s7  }
.LBB2_51:
0x30e: {  	p1 =	seq.s32 s5, $0xFFFFFFFF  }
.Ltmp43:
0x30f: {  	_ = 	snop;
	(pc) =	sbr.rel @p1 .LBB2_53-.Ltmp43, $1  }
0x310: {  	_ =	sdelay $0x3  }
0x311: {  	s0 =	sshll.u32 s3, $0x8  }
0x312: {  	s0 =	sand.u32 $0x3FFFFF00, s0  }
0x313: {  	v0 =	vld [tilespmem:s0+$0xE438];
	_ =	sdelay $0x2  }
0x314: {  	s4 =	sshll.u32 s5, $0xA  }
0x315: {  	s4 =	sshra.s32 s4, $0x2  }
0x316: {  	[tilespmem:s4+$0xE438] =	vst.add.f32.msk $0xffff, v0  }
0x317: {  	v0 =	vld [tilespmem:s0+$0xE448];
	_ =	sdelay $0x4  }
0x318: {  	[tilespmem:s4+$0xE448] =	vst.add.f32.msk $0xffff, v0  }
0x319: {  	v0 =	vld [tilespmem:s0+$0xE458];
	_ =	sdelay $0x4  }
0x31a: {  	[tilespmem:s4+$0xE458] =	vst.add.f32.msk $0xffff, v0  }
0x31b: {  	v0 =	vld [tilespmem:s0+$0xE468];
	_ =	sdelay $0x4  }
0x31c: {  	[tilespmem:s4+$0xE468] =	vst.add.f32.msk $0xffff, v0  }
0x31d: {  	v0 =	vld [tilespmem:s0+$0xE478];
	_ =	sdelay $0x4  }
0x31e: {  	[tilespmem:s4+$0xE478] =	vst.add.f32.msk $0xffff, v0  }
0x31f: {  	v0 =	vld [tilespmem:s0+$0xE488];
	_ =	sdelay $0x4  }
0x320: {  	[tilespmem:s4+$0xE488] =	vst.add.f32.msk $0xffff, v0  }
0x321: {  	v0 =	vld [tilespmem:s0+$0xE498];
	_ =	sdelay $0x4  }
0x322: {  	[tilespmem:s4+$0xE498] =	vst.add.f32.msk $0xffff, v0  }
0x323: {  	v0 =	vld [tilespmem:s0+$0xE4A8];
	_ =	sdelay $0x4  }
0x324: {  	[tilespmem:s4+$0xE4A8] =	vst.add.f32.msk $0xffff, v0  }
0x325: {  	v0 =	vld [tilespmem:s0+$0xE4B8];
	_ =	sdelay $0x4  }
0x326: {  	[tilespmem:s4+$0xE4B8] =	vst.add.f32.msk $0xffff, v0  }
0x327: {  	v0 =	vld [tilespmem:s0+$0xE4C8];
	_ =	sdelay $0x4  }
0x328: {  	[tilespmem:s4+$0xE4C8] =	vst.add.f32.msk $0xffff, v0  }
0x329: {  	v0 =	vld [tilespmem:s0+$0xE4D8];
	_ =	sdelay $0x4  }
0x32a: {  	[tilespmem:s4+$0xE4D8] =	vst.add.f32.msk $0xffff, v0  }
0x32b: {  	v0 =	vld [tilespmem:s0+$0xE4E8];
	_ =	sdelay $0x4  }
0x32c: {  	[tilespmem:s4+$0xE4E8] =	vst.add.f32.msk $0xffff, v0  }
0x32d: {  	v0 =	vld [tilespmem:s0+$0xE4F8];
	_ =	sdelay $0x4  }
0x32e: {  	[tilespmem:s4+$0xE4F8] =	vst.add.f32.msk $0xffff, v0  }
0x32f: {  	v0 =	vld [tilespmem:s0+$0xE508];
	_ =	sdelay $0x4  }
0x330: {  	[tilespmem:s4+$0xE508] =	vst.add.f32.msk $0xffff, v0  }
0x331: {  	v0 =	vld [tilespmem:s0+$0xE518];
	_ =	sdelay $0x4  }
0x332: {  	[tilespmem:s4+$0xE518] =	vst.add.f32.msk $0xffff, v0  }
0x333: {  	v0 =	vld [tilespmem:s0+$0xE528]  }
.Ltmp44:
0x334: {  	_ = 	snop;
	(pc) =	sbr.rel .LBB2_54-.Ltmp44, $2  }
0x335: {  	_ =	sdelay $0x2  }
0x336: {  	[tilespmem:s4+$0xE528] =	vst.add.f32.msk $0xffff, v0  }
.LBB2_55:
0x337: {  	p1 =	slt.s32 s2, $0x1  }
.Ltmp45:
0x338: {  	_ = 	snop;
	(pc) =	sbr.rel @p1 .LBB2_59-.Ltmp45, $3  }
0x339: {  	_ =	sdelay $0x1  }
0x33a: {  	s0 =	simm.s32 $0x8  }
0x33b: {  	s4 =	simm.s32 $0x0;
	[sflag:s0] =	ssyncpa.u1 $0x1  }
0x33c: {  	s0 =	simm.s32 $0xE418  }
0x33d: {  	v0 =	vld.msk [tilespmem:s0+$0x0], $0x1;
	_ =	sdelay $0x4  }
0x33e: {  	(v2sf) =	vpush v0, $0x0;
	_ =	sdelay $0xe  }
0x33f: {  	s0 =	sadd.s32 $0xFFFFFFFF, s2;
	s3 =	spop (v2sf)  }
0x340: {  	s6 =	simm.s32 $0xE438;
	p1 =	sne.s32 s0, $0x0;
	p2 =	sgt.u32 s3, $0x4FF70  }
.Ltmp46:
0x341: {  	s2 =	simm.s32 $0xE538;
	s5 =	sand.u32 @!p2 $0x7FFF8, s3;
	(pc) =	sbr.rel @!p1 .LBB2_58-.Ltmp46, $4  }
0x342: {  	s7 =	sadd.s32 @!p2 $0x80, s3;
	s4 =	simm.s32 @!p2 $0x400;
	s8 =	sadd.s32 @!p2 s1, s5  }
0x343: {  	s5 =	sand.u32 @!p2 $0x7, s3;
	s3 =	simm.s32 $0xE419;
	s7 =	sand.u32 @!p2 $0xFFFF8, s7  }
0x344: {  	[hbm4b:s8+s5] =	stream.linear.scatter @!p2 [tilespmem:s6], [sflag:$0x7], $0x80, $0x38;
	[tilespmem:$0x1E678] =	vst v63  }
0x345: {  	s4 =	sadd.s32 $0x0, s4;
	s6 =	simm.s32 @!p2 $0xE4B8;
	s7 =	sadd.s32 @!p2 s1, s7  }
.LBB2_57:
0x346: {  	[hbm4b:s7+s5] =	stream.linear.scatter @!p2 [tilespmem:s6], [sflag:$0x7], $0x80, $0x38;
	[tilespmem:$0x1E678] =	vst v63  }
0x347: {  	s0 =	sadd.s32 $0xFFFFFFFF, s0;
	s6 =	smov.u32 s2;
	v0 =	vld.msk [tilespmem:s3+$0x0], $0x1  }
0x348: {  	p1 =	sne.s32 s0, $0x0;
	_ =	sdelay $0x3  }
0x349: {  	(v2sf) =	vpush v0, $0x0;
	_ =	sdelay $0xe  }
0x34a: {  	s2 =	sadd.s32 $0x100, s2;
	s8 =	simm.s32 $0x0;
	s5 =	spop (v2sf)  }
.Ltmp47:
0x34b: {  	s3 =	sadd.s32 $0x1, s3;
	p2 =	sgt.u32 s5, $0x4FF70;
	(pc) =	sbr.rel @p1 .LBB2_57-.Ltmp47, $4  }
0x34c: {  	s8 =	simm.s32 @!p2 $0x400;
	s7 =	sand.u32 @!p2 $0x7FFF8, s5;
	s9 =	sadd.s32 @!p2 $0x80, s5  }
0x34d: {  	s5 =	sand.u32 @!p2 $0x7, s5;
	s7 =	sadd.s32 @!p2 s1, s7;
	s9 =	sand.u32 @!p2 $0xFFFF8, s9  }
0x34e: {  	[hbm4b:s7+s5] =	stream.linear.scatter @!p2 [tilespmem:s6], [sflag:$0x7], $0x80, $0x38;
	[tilespmem:$0x1E678] =	vst v63  }
0x34f: {  	s4 =	sadd.s32 s4, s8;
	s6 =	sadd.s32 @!p2 $0x80, s6;
	s7 =	sadd.s32 @!p2 s1, s9  }
.LBB2_58:
0x350: {  	[hbm4b:s7+s5] =	stream.linear.scatter @!p2 [tilespmem:s6], [sflag:$0x7], $0x80, $0x38;
	[tilespmem:$0x1E678] =	vst v63  }
0x351: {  	s4 =	sshrl.u32 s4, $0x2  }
.LBB2_59:
0x352: {  	s0 =	simm.s32 $0x7  }
0x353: {  	_ =	swait.ge [sflag:s0], s4  }
0x354: {  	s1 =	ssub.s32 $0x0, s4;
	[sflag:s0] =	ssyncset.done $0x0  }
0x355: {  	[sflag:s0] =	ssyncadd.s32 s1  }
0x356: {  	[sflag:s0] =	ssyncpa.u1 $0x1  }
.LBB2_60:
0x357: {  	_ =	sfence;
	s0 =	simm.s32 $0x1  }
0x358: {  	[sflag:s0] =	ssyncpa.u1 $0x1  }
0x359: {  	_ =	strace $0x9000004D  }
0x35a: {  	[bflag:$0x2] =	sbarrier.arrive $0xFFFF  }
0x35b: {  	s0 =	rddreg [dreg:$0x3]  }
0x35c: {  	s0 =	sadd.s32 @!p0 $0x100000, s0  }
0x35d: {  	[sflag:s0] =	ssyncadd.tile.s32 @!p0 $0x1;
	_ =	shalt  }
.Lfunc_end2:
_tile_overlayer_lowered:
.L_overlay_start_2:
0x35e: {  	(tag) =	ssettag $0x2  }
0x35f: {  	s0 =	rddreg [dreg:$0x0];
	s2 =	stileid.u32  }
0x360: {  	s1 =	rddreg [dreg:$0x1];
	p0 =	sne.s32 s2, $0x0  }
0x361: {  	s3 =	rddreg [dreg:$0x2];
	[bflag:$0x3] =	sbarrier.arrive $0xFFFF;
	s2 =	simm.s32 @!p0 $0x1C01  }
0x362: {  	[timem:s3], [sflag:s2] =	dma.local @!p0 [hbm:s0], s1  }
0x363: {  	s0 =	simm.s32 @!p0 $0x1  }
0x364: {  	_ =	swait.ge @!p0 [sflag:s0], s1  }
0x365: {  	s1 =	ssub.s32 @!p0 $0x0, s1;
	[sflag:s0] =	ssyncset.done @!p0 $0x0  }
0x366: {  	[sflag:s0] =	ssyncadd.s32 @!p0 s1  }
0x367: {  	[bflag:$0x3] =	sbarrier.arrive $0xFFFF  }
0x368: {  	_ =	shalt  }

</sc_bundles>
